<compile_context>
chip_gen: v7x
topology: tpu7x:2x2x1
jax: 0.10.2.dev20260603
libtpu: 0.0.44.dev20260713+nightly
codegen_flags: <defaults>
</compile_context>

<pallas_src>
import jax
import jax.numpy as jnp
from jax import lax
from jax.experimental import pallas as pl
from jax.experimental.pallas import tpu as pltpu
from jax.experimental.pallas import tpu_sc as plsc

_N = 100000
_D = 128
_S = 256
_B = 2000
_M = 32000
_NBA = _M // _B
_NBB = (_N - _M) // _B

_R = 128
_NCH = _M // _R
_NW = 32


def _tc_scores(x_ref, w1_ref, b1_ref, w2_ref, batch_ref, e_ref, deno_ref, den_ref):
    i = pl.program_id(0)
    nb = pl.num_programs(0)

    @pl.when(i == 0)
    def _init():
        den_ref[...] = jnp.zeros_like(den_ref)

    x = x_ref[...]
    h = jnp.tanh(
        jnp.dot(x, w1_ref[...], preferred_element_type=jnp.float32) + b1_ref[...]
    )
    st = lax.dot_general(
        w2_ref[...], h, (((1,), (1,)), ((), ())), preferred_element_type=jnp.float32
    )
    c = jnp.sum(jnp.abs(w2_ref[...]))
    e = jnp.exp(st - c)
    e_ref[...] = e.reshape(1, 1, _B)

    seg = batch_ref[...].reshape(1, _B)
    rows = lax.broadcasted_iota(jnp.int32, (_S, _B), 0)
    Pt = jnp.where(seg == rows, e, 0.0)
    den_ref[:, 0:1] += jnp.sum(Pt, axis=1, keepdims=True)

    @pl.when(i == nb - 1)
    def _fin():
        deno_ref[...] = den_ref[...]


def _tc_pool(x_ref, w1_ref, b1_ref, w2_ref, batch_ref, acco_ref, deno_ref,
             acc_ref, den_ref):
    i = pl.program_id(0)
    nb = pl.num_programs(0)

    @pl.when(i == 0)
    def _init():
        acc_ref[...] = jnp.zeros_like(acc_ref)
        den_ref[...] = jnp.zeros_like(den_ref)

    x = x_ref[...]
    h = jnp.tanh(
        jnp.dot(x, w1_ref[...], preferred_element_type=jnp.float32) + b1_ref[...]
    )
    st = lax.dot_general(
        w2_ref[...], h, (((1,), (1,)), ((), ())), preferred_element_type=jnp.float32
    )
    c = jnp.sum(jnp.abs(w2_ref[...]))
    e = jnp.exp(st - c)

    seg = batch_ref[...].reshape(1, _B)
    rows = lax.broadcasted_iota(jnp.int32, (_S, _B), 0)
    Pt = jnp.where(seg == rows, e, 0.0)

    acc_ref[...] += lax.dot_general(
        Pt, x, (((1,), (0,)), ((), ())), preferred_element_type=jnp.float32
    )
    den_ref[:, 0:1] += jnp.sum(Pt, axis=1, keepdims=True)

    @pl.when(i == nb - 1)
    def _fin():
        acco_ref[...] = acc_ref[...]
        deno_ref[...] = den_ref[...]


def _sc_pool(x_hbm, e_hbm, b_hbm, acc_hbm, xv, ev, bv, zv, accs):
    cid = lax.axis_index("c")
    sid = lax.axis_index("s")
    wid = sid * 2 + cid

    z16 = jnp.zeros((16,), jnp.float32)
    for r in range(16):
        for q in range(8):
            zv[r, pl.ds(16 * q, 16)] = z16
    pltpu.sync_copy(zv, accs.at[pl.ds(sid * 16, 16), :])
    plsc.subcore_barrier()

    nch_w = (_NCH - 1 - wid) // _NW + 1

    def weight_rows(nrows):
        @plsc.parallel_loop(0, nrows, step=1, unroll=8)
        def _rows(i):
            ei = ev[pl.ds(i, 16)][0]
            es = jnp.full((16,), ei, jnp.float32)
            for q in range(8):
                sl = pl.ds(16 * q, 16)
                xv[i, sl] = xv[i, sl] * es

    def chunk_body(k, carry):
        base = (wid + k * _NW) * _R
        pltpu.sync_copy(x_hbm.at[pl.ds(base, _R), :], xv)
        pltpu.sync_copy(e_hbm.at[pl.ds(base, _R)], ev.at[pl.ds(0, _R)])
        pltpu.sync_copy(b_hbm.at[pl.ds(base, _R)], bv)
        weight_rows(_R)
        pltpu.sync_copy(xv, accs.at[bv], add=True)
        return carry

    lax.fori_loop(0, nch_w, chunk_body, 0)

    plsc.subcore_barrier()

    @pl.when(sid == 0)
    def _writeout():
        pltpu.sync_copy(accs, acc_hbm.at[cid])


def _tc_finish(accsc_ref, acctc_ref, den1_ref, den2_ref, out_ref):
    a = accsc_ref[0] + accsc_ref[1] + acctc_ref[...]
    d = den1_ref[:, 0:1] + den2_ref[:, 0:1]
    out_ref[...] = a / (d + 1e-16)


def kernel(x, W1, b1, W2, batch):
    b1r = b1.reshape(1, _D)
    w2t = W2.reshape(1, _D)
    bi = batch.astype(jnp.int32)
    batch3 = bi.reshape(_N // _B, 1, _B)

    e3, den1 = pl.pallas_call(
        _tc_scores,
        grid=(_NBA,),
        in_specs=[
            pl.BlockSpec((_B, _D), lambda i: (i, 0)),
            pl.BlockSpec((_D, _D), lambda i: (0, 0)),
            pl.BlockSpec((1, _D), lambda i: (0, 0)),
            pl.BlockSpec((1, _D), lambda i: (0, 0)),
            pl.BlockSpec((1, 1, _B), lambda i: (i, 0, 0)),
        ],
        out_specs=[
            pl.BlockSpec((1, 1, _B), lambda i: (i, 0, 0)),
            pl.BlockSpec((_S, 8), lambda i: (0, 0)),
        ],
        out_shape=[
            jax.ShapeDtypeStruct((_NBA, 1, _B), jnp.float32),
            jax.ShapeDtypeStruct((_S, 8), jnp.float32),
        ],
        scratch_shapes=[pltpu.VMEM((_S, 8), jnp.float32)],
        compiler_params=pltpu.CompilerParams(
            dimension_semantics=("arbitrary",),
        ),
    )(x, W1, b1r, w2t, batch3)
    e1 = e3.reshape(_M)

    mesh = plsc.VectorSubcoreMesh(core_axis_name="c", subcore_axis_name="s")
    accsc = pl.kernel(
        _sc_pool,
        out_type=jax.ShapeDtypeStruct((2, _S, _D), jnp.float32),
        mesh=mesh,
        scratch_types=[
            pltpu.VMEM((_R, _D), jnp.float32),
            pltpu.VMEM((_R + 16,), jnp.float32),
            pltpu.VMEM((_R,), jnp.int32),
            pltpu.VMEM((16, _D), jnp.float32),
            pltpu.VMEM_SHARED((_S, _D), jnp.float32),
        ],
    )(x, e1, bi)

    acctc, den2 = pl.pallas_call(
        _tc_pool,
        grid=(_NBB,),
        in_specs=[
            pl.BlockSpec((_B, _D), lambda i: (i + _NBA, 0)),
            pl.BlockSpec((_D, _D), lambda i: (0, 0)),
            pl.BlockSpec((1, _D), lambda i: (0, 0)),
            pl.BlockSpec((1, _D), lambda i: (0, 0)),
            pl.BlockSpec((1, 1, _B), lambda i: (i + _NBA, 0, 0)),
        ],
        out_specs=[
            pl.BlockSpec((_S, _D), lambda i: (0, 0)),
            pl.BlockSpec((_S, 8), lambda i: (0, 0)),
        ],
        out_shape=[
            jax.ShapeDtypeStruct((_S, _D), jnp.float32),
            jax.ShapeDtypeStruct((_S, 8), jnp.float32),
        ],
        scratch_shapes=[
            pltpu.VMEM((_S, _D), jnp.float32),
            pltpu.VMEM((_S, 8), jnp.float32),
        ],
        compiler_params=pltpu.CompilerParams(
            dimension_semantics=("arbitrary",),
        ),
    )(x, W1, b1r, w2t, batch3)

    return pl.pallas_call(
        _tc_finish,
        in_specs=[
            pl.BlockSpec((2, _S, _D), lambda: (0, 0, 0)),
            pl.BlockSpec((_S, _D), lambda: (0, 0)),
            pl.BlockSpec((_S, 8), lambda: (0, 0)),
            pl.BlockSpec((_S, 8), lambda: (0, 0)),
        ],
        out_specs=pl.BlockSpec((_S, _D), lambda: (0, 0)),
        out_shape=jax.ShapeDtypeStruct((_S, _D), jnp.float32),
    )(accsc, acctc, den1, den2)

# --- scband reference (transcript-rebuilt; emitter-appended) ---
"""Pipeline reference for scband-attention-pooling-31842887533292 (READ-ONLY COPY).

The authoritative reference and input builder live on the scoring server;
editing this copy changes nothing except your own understanding.
"""

import jax, jax.numpy as jnp
import numpy as np

N = 100000
D = 128
S = 256  # number of graphs (segments)


def setup_inputs(seed: int = 0) -> dict:
    key = jax.random.key(seed)
    k1, k2, k3, k4 = jax.random.split(key, 4)
    x = jax.random.normal(k1, (N, D), dtype=jnp.float32)
    batch = jnp.sort(jax.random.randint(k2, (N,), 0, S)).astype(jnp.int64)
    # nn.Linear(D, D) params: W1 [D, D] (used as x @ W1), b1 [D]
    W1 = jax.random.normal(k3, (D, D), dtype=jnp.float32) * (1.0 / np.sqrt(D))
    b1 = jnp.zeros((D,), dtype=jnp.float32)
    # nn.Linear(D, heads=1, bias=False): W2 [D, 1]
    W2 = jax.random.normal(k4, (D, 1), dtype=jnp.float32) * (1.0 / np.sqrt(D))
    return {"x": x, "W1": W1, "b1": b1, "W2": W2, "batch": batch}


def reference(x, W1, b1, W2, batch):
    # attention MLP: Linear -> Tanh -> Linear(no bias) -> [N, heads=1]
    attn_scores = jnp.tanh(x @ W1 + b1) @ W2
    # segment softmax over nodes of each graph (dim=0, grouped by batch)
    seg_max = jax.ops.segment_max(attn_scores, batch, num_segments=S)
    seg_max = jnp.where(jnp.isfinite(seg_max), seg_max, 0.0)
    e = jnp.exp(attn_scores - seg_max[batch])
    denom = jax.ops.segment_sum(e, batch, num_segments=S)
    attn_weights = e / (denom[batch] + 1e-16)  # [N, 1]
    # heads == 1 path: squeeze, weight nodes, scatter-sum per graph
    w = attn_weights[:, 0]
    out = jax.ops.segment_sum(x * w[:, None], batch, num_segments=S)
    return out

if __name__ == "__main__":
    import jax
    _d = setup_inputs()
    print(jax.jit(kernel)(*tuple(_d.values())))

</pallas_src>

<mosaic_0001>
#map = affine_map<(d0, d1) -> (0, 0)>
#map1 = affine_map<(d0, d1) -> (0)>
#map2 = affine_map<(d0, d1) -> (0, 0, 0)>
module attributes {stable_mosaic.version = 14 : i64} {
  func.func @_sc_pool(%arg0: i32, %arg1: i32, %arg2: memref<100000x128xf32, #tpu.memory_space<hbm>>, %arg3: memref<32000xf32, #tpu.memory_space<hbm>>, %arg4: memref<100000xi32, #tpu.memory_space<hbm>>, %arg5: memref<2x256x128xf32, #tpu.memory_space<hbm>>, %arg6: memref<128x128xf32, #tpu.memory_space<vmem>>, %arg7: memref<144xf32, #tpu.memory_space<vmem>>, %arg8: memref<128xi32, #tpu.memory_space<vmem>>, %arg9: memref<16x128xf32, #tpu.memory_space<vmem>>, %arg10: memref<256x128xf32, #tpu.memory_space<vmem_shared>>) attributes {dimension_semantics = [#tpu.dimension_semantics<core_parallel>, #tpu.dimension_semantics<subcore_parallel>], iteration_bounds = array<i64: 2, 16>, scalar_prefetch = 0 : i64, scratch_operands = 5 : i64, tpu.core_type = #tpu.core_type<sc_vector_subcore>, window_params = [{transform_indices = #map}, {transform_indices = #map1}, {transform_indices = #map1}, {transform_indices = #map2}]} {
    %mul3A = arith.constant 2 : i32
    %mul3A_0 = arith.muli %arg1, %mul3A : i32
    %add3A = arith.addi %mul3A_0, %arg0 : i32
    %broadcast_in_dim3A = arith.constant 0.000000e+00 : f32
    %broadcast_in_dim3A_1 = vector.broadcast %broadcast_in_dim3A : f32 to vector<16xf32>
    %swap3A = arith.constant 0 : i32
    %swap3A_2 = arith.index_cast %swap3A : i32 to index
    %swap3A_3 = arith.constant 0 : index
    %swap3A_4 = tpu.vector_load %arg9[%swap3A_2, %swap3A_3] {strides = array<i32>} : memref<16x128xf32, #tpu.memory_space<vmem>>, vector<1x16xf32>,
    %swap3A_5 = vector.shape_cast %swap3A_4 : vector<1x16xf32> to vector<16xf32>
    %swap3A_6 = vector.shape_cast %broadcast_in_dim3A_1 : vector<16xf32> to vector<1x16xf32>
    tpu.vector_store %arg9[%swap3A_2, %swap3A_3], %swap3A_6 {strides = array<i32>} : memref<16x128xf32, #tpu.memory_space<vmem>>, vector<1x16xf32>,
    %swap3A_7 = arith.constant 0 : i32
    %swap3A_8 = arith.index_cast %swap3A_7 : i32 to index
    %swap3A_9 = arith.constant 16 : index
    %swap3A_10 = tpu.vector_load %arg9[%swap3A_8, %swap3A_9] {strides = array<i32>} : memref<16x128xf32, #tpu.memory_space<vmem>>, vector<1x16xf32>,
    %swap3A_11 = vector.shape_cast %swap3A_10 : vector<1x16xf32> to vector<16xf32>
    %swap3A_12 = vector.shape_cast %broadcast_in_dim3A_1 : vector<16xf32> to vector<1x16xf32>
    tpu.vector_store %arg9[%swap3A_8, %swap3A_9], %swap3A_12 {strides = array<i32>} : memref<16x128xf32, #tpu.memory_space<vmem>>, vector<1x16xf32>,
    %swap3A_13 = arith.constant 0 : i32
    %swap3A_14 = arith.index_cast %swap3A_13 : i32 to index
    %swap3A_15 = arith.constant 32 : index
    %swap3A_16 = tpu.vector_load %arg9[%swap3A_14, %swap3A_15] {strides = array<i32>} : memref<16x128xf32, #tpu.memory_space<vmem>>, vector<1x16xf32>,
    %swap3A_17 = vector.shape_cast %swap3A_16 : vector<1x16xf32> to vector<16xf32>
    %swap3A_18 = vector.shape_cast %broadcast_in_dim3A_1 : vector<16xf32> to vector<1x16xf32>
    tpu.vector_store %arg9[%swap3A_14, %swap3A_15], %swap3A_18 {strides = array<i32>} : memref<16x128xf32, #tpu.memory_space<vmem>>, vector<1x16xf32>,
    %swap3A_19 = arith.constant 0 : i32
    %swap3A_20 = arith.index_cast %swap3A_19 : i32 to index
    %swap3A_21 = arith.constant 48 : index
    %swap3A_22 = tpu.vector_load %arg9[%swap3A_20, %swap3A_21] {strides = array<i32>} : memref<16x128xf32, #tpu.memory_space<vmem>>, vector<1x16xf32>,
    %swap3A_23 = vector.shape_cast %swap3A_22 : vector<1x16xf32> to vector<16xf32>
    %swap3A_24 = vector.shape_cast %broadcast_in_dim3A_1 : vector<16xf32> to vector<1x16xf32>
    tpu.vector_store %arg9[%swap3A_20, %swap3A_21], %swap3A_24 {strides = array<i32>} : memref<16x128xf32, #tpu.memory_space<vmem>>, vector<1x16xf32>,
    %swap3A_25 = arith.constant 0 : i32
    %swap3A_26 = arith.index_cast %swap3A_25 : i32 to index
    %swap3A_27 = arith.constant 64 : index
    %swap3A_28 = tpu.vector_load %arg9[%swap3A_26, %swap3A_27] {strides = array<i32>} : memref<16x128xf32, #tpu.memory_space<vmem>>, vector<1x16xf32>,
    %swap3A_29 = vector.shape_cast %swap3A_28 : vector<1x16xf32> to vector<16xf32>
    %swap3A_30 = vector.shape_cast %broadcast_in_dim3A_1 : vector<16xf32> to vector<1x16xf32>
    tpu.vector_store %arg9[%swap3A_26, %swap3A_27], %swap3A_30 {strides = array<i32>} : memref<16x128xf32, #tpu.memory_space<vmem>>, vector<1x16xf32>,
    %swap3A_31 = arith.constant 0 : i32
    %swap3A_32 = arith.index_cast %swap3A_31 : i32 to index
    %swap3A_33 = arith.constant 80 : index
    %swap3A_34 = tpu.vector_load %arg9[%swap3A_32, %swap3A_33] {strides = array<i32>} : memref<16x128xf32, #tpu.memory_space<vmem>>, vector<1x16xf32>,
    %swap3A_35 = vector.shape_cast %swap3A_34 : vector<1x16xf32> to vector<16xf32>
    %swap3A_36 = vector.shape_cast %broadcast_in_dim3A_1 : vector<16xf32> to vector<1x16xf32>
    tpu.vector_store %arg9[%swap3A_32, %swap3A_33], %swap3A_36 {strides = array<i32>} : memref<16x128xf32, #tpu.memory_space<vmem>>, vector<1x16xf32>,
    %swap3A_37 = arith.constant 0 : i32
    %swap3A_38 = arith.index_cast %swap3A_37 : i32 to index
    %swap3A_39 = arith.constant 96 : index
    %swap3A_40 = tpu.vector_load %arg9[%swap3A_38, %swap3A_39] {strides = array<i32>} : memref<16x128xf32, #tpu.memory_space<vmem>>, vector<1x16xf32>,
    %swap3A_41 = vector.shape_cast %swap3A_40 : vector<1x16xf32> to vector<16xf32>
    %swap3A_42 = vector.shape_cast %broadcast_in_dim3A_1 : vector<16xf32> to vector<1x16xf32>
    tpu.vector_store %arg9[%swap3A_38, %swap3A_39], %swap3A_42 {strides = array<i32>} : memref<16x128xf32, #tpu.memory_space<vmem>>, vector<1x16xf32>,
    %swap3A_43 = arith.constant 0 : i32
    %swap3A_44 = arith.index_cast %swap3A_43 : i32 to index
    %swap3A_45 = arith.constant 112 : index
    %swap3A_46 = tpu.vector_load %arg9[%swap3A_44, %swap3A_45] {strides = array<i32>} : memref<16x128xf32, #tpu.memory_space<vmem>>, vector<1x16xf32>,
    %swap3A_47 = vector.shape_cast %swap3A_46 : vector<1x16xf32> to vector<16xf32>
    %swap3A_48 = vector.shape_cast %broadcast_in_dim3A_1 : vector<16xf32> to vector<1x16xf32>
    tpu.vector_store %arg9[%swap3A_44, %swap3A_45], %swap3A_48 {strides = array<i32>} : memref<16x128xf32, #tpu.memory_space<vmem>>, vector<1x16xf32>,
    %swap3A_49 = arith.constant 1 : i32
    %swap3A_50 = arith.index_cast %swap3A_49 : i32 to index
    %swap3A_51 = arith.constant 0 : index
    %swap3A_52 = tpu.vector_load %arg9[%swap3A_50, %swap3A_51] {strides = array<i32>} : memref<16x128xf32, #tpu.memory_space<vmem>>, vector<1x16xf32>,
    %swap3A_53 = vector.shape_cast %swap3A_52 : vector<1x16xf32> to vector<16xf32>
    %swap3A_54 = vector.shape_cast %broadcast_in_dim3A_1 : vector<16xf32> to vector<1x16xf32>
    tpu.vector_store %arg9[%swap3A_50, %swap3A_51], %swap3A_54 {strides = array<i32>} : memref<16x128xf32, #tpu.memory_space<vmem>>, vector<1x16xf32>,
    %swap3A_55 = arith.constant 1 : i32
    %swap3A_56 = arith.index_cast %swap3A_55 : i32 to index
    %swap3A_57 = arith.constant 16 : index
    %swap3A_58 = tpu.vector_load %arg9[%swap3A_56, %swap3A_57] {strides = array<i32>} : memref<16x128xf32, #tpu.memory_space<vmem>>, vector<1x16xf32>,
    %swap3A_59 = vector.shape_cast %swap3A_58 : vector<1x16xf32> to vector<16xf32>
    %swap3A_60 = vector.shape_cast %broadcast_in_dim3A_1 : vector<16xf32> to vector<1x16xf32>
    tpu.vector_store %arg9[%swap3A_56, %swap3A_57], %swap3A_60 {strides = array<i32>} : memref<16x128xf32, #tpu.memory_space<vmem>>, vector<1x16xf32>,
    %swap3A_61 = arith.constant 1 : i32
    %swap3A_62 = arith.index_cast %swap3A_61 : i32 to index
    %swap3A_63 = arith.constant 32 : index
    %swap3A_64 = tpu.vector_load %arg9[%swap3A_62, %swap3A_63] {strides = array<i32>} : memref<16x128xf32, #tpu.memory_space<vmem>>, vector<1x16xf32>,
    %swap3A_65 = vector.shape_cast %swap3A_64 : vector<1x16xf32> to vector<16xf32>
    %swap3A_66 = vector.shape_cast %broadcast_in_dim3A_1 : vector<16xf32> to vector<1x16xf32>
    tpu.vector_store %arg9[%swap3A_62, %swap3A_63], %swap3A_66 {strides = array<i32>} : memref<16x128xf32, #tpu.memory_space<vmem>>, vector<1x16xf32>,
    %swap3A_67 = arith.constant 1 : i32
    %swap3A_68 = arith.index_cast %swap3A_67 : i32 to index
    %swap3A_69 = arith.constant 48 : index
    %swap3A_70 = tpu.vector_load %arg9[%swap3A_68, %swap3A_69] {strides = array<i32>} : memref<16x128xf32, #tpu.memory_space<vmem>>, vector<1x16xf32>,
    %swap3A_71 = vector.shape_cast %swap3A_70 : vector<1x16xf32> to vector<16xf32>
    %swap3A_72 = vector.shape_cast %broadcast_in_dim3A_1 : vector<16xf32> to vector<1x16xf32>
    tpu.vector_store %arg9[%swap3A_68, %swap3A_69], %swap3A_72 {strides = array<i32>} : memref<16x128xf32, #tpu.memory_space<vmem>>, vector<1x16xf32>,
    %swap3A_73 = arith.constant 1 : i32
    %swap3A_74 = arith.index_cast %swap3A_73 : i32 to index
    %swap3A_75 = arith.constant 64 : index
    %swap3A_76 = tpu.vector_load %arg9[%swap3A_74, %swap3A_75] {strides = array<i32>} : memref<16x128xf32, #tpu.memory_space<vmem>>, vector<1x16xf32>,
    %swap3A_77 = vector.shape_cast %swap3A_76 : vector<1x16xf32> to vector<16xf32>
    %swap3A_78 = vector.shape_cast %broadcast_in_dim3A_1 : vector<16xf32> to vector<1x16xf32>
    tpu.vector_store %arg9[%swap3A_74, %swap3A_75], %swap3A_78 {strides = array<i32>} : memref<16x128xf32, #tpu.memory_space<vmem>>, vector<1x16xf32>,
    %swap3A_79 = arith.constant 1 : i32
    %swap3A_80 = arith.index_cast %swap3A_79 : i32 to index
    %swap3A_81 = arith.constant 80 : index
    %swap3A_82 = tpu.vector_load %arg9[%swap3A_80, %swap3A_81] {strides = array<i32>} : memref<16x128xf32, #tpu.memory_space<vmem>>, vector<1x16xf32>,
    %swap3A_83 = vector.shape_cast %swap3A_82 : vector<1x16xf32> to vector<16xf32>
    %swap3A_84 = vector.shape_cast %broadcast_in_dim3A_1 : vector<16xf32> to vector<1x16xf32>
    tpu.vector_store %arg9[%swap3A_80, %swap3A_81], %swap3A_84 {strides = array<i32>} : memref<16x128xf32, #tpu.memory_space<vmem>>, vector<1x16xf32>,
    %swap3A_85 = arith.constant 1 : i32
    %swap3A_86 = arith.index_cast %swap3A_85 : i32 to index
    %swap3A_87 = arith.constant 96 : index
    %swap3A_88 = tpu.vector_load %arg9[%swap3A_86, %swap3A_87] {strides = array<i32>} : memref<16x128xf32, #tpu.memory_space<vmem>>, vector<1x16xf32>,
    %swap3A_89 = vector.shape_cast %swap3A_88 : vector<1x16xf32> to vector<16xf32>
    %swap3A_90 = vector.shape_cast %broadcast_in_dim3A_1 : vector<16xf32> to vector<1x16xf32>
    tpu.vector_store %arg9[%swap3A_86, %swap3A_87], %swap3A_90 {strides = array<i32>} : memref<16x128xf32, #tpu.memory_space<vmem>>, vector<1x16xf32>,
    %swap3A_91 = arith.constant 1 : i32
    %swap3A_92 = arith.index_cast %swap3A_91 : i32 to index
    %swap3A_93 = arith.constant 112 : index
    %swap3A_94 = tpu.vector_load %arg9[%swap3A_92, %swap3A_93] {strides = array<i32>} : memref<16x128xf32, #tpu.memory_space<vmem>>, vector<1x16xf32>,
    %swap3A_95 = vector.shape_cast %swap3A_94 : vector<1x16xf32> to vector<16xf32>
    %swap3A_96 = vector.shape_cast %broadcast_in_dim3A_1 : vector<16xf32> to vector<1x16xf32>
    tpu.vector_store %arg9[%swap3A_92, %swap3A_93], %swap3A_96 {strides = array<i32>} : memref<16x128xf32, #tpu.memory_space<vmem>>, vector<1x16xf32>,
    %swap3A_97 = arith.constant 2 : i32
    %swap3A_98 = arith.index_cast %swap3A_97 : i32 to index
    %swap3A_99 = arith.constant 0 : index
    %swap3A_100 = tpu.vector_load %arg9[%swap3A_98, %swap3A_99] {strides = array<i32>} : memref<16x128xf32, #tpu.memory_space<vmem>>, vector<1x16xf32>,
    %swap3A_101 = vector.shape_cast %swap3A_100 : vector<1x16xf32> to vector<16xf32>
    %swap3A_102 = vector.shape_cast %broadcast_in_dim3A_1 : vector<16xf32> to vector<1x16xf32>
    tpu.vector_store %arg9[%swap3A_98, %swap3A_99], %swap3A_102 {strides = array<i32>} : memref<16x128xf32, #tpu.memory_space<vmem>>, vector<1x16xf32>,
    %swap3A_103 = arith.constant 2 : i32
    %swap3A_104 = arith.index_cast %swap3A_103 : i32 to index
    %swap3A_105 = arith.constant 16 : index
    %swap3A_106 = tpu.vector_load %arg9[%swap3A_104, %swap3A_105] {strides = array<i32>} : memref<16x128xf32, #tpu.memory_space<vmem>>, vector<1x16xf32>,
    %swap3A_107 = vector.shape_cast %swap3A_106 : vector<1x16xf32> to vector<16xf32>
    %swap3A_108 = vector.shape_cast %broadcast_in_dim3A_1 : vector<16xf32> to vector<1x16xf32>
    tpu.vector_store %arg9[%swap3A_104, %swap3A_105], %swap3A_108 {strides = array<i32>} : memref<16x128xf32, #tpu.memory_space<vmem>>, vector<1x16xf32>,
    %swap3A_109 = arith.constant 2 : i32
    %swap3A_110 = arith.index_cast %swap3A_109 : i32 to index
    %swap3A_111 = arith.constant 32 : index
    %swap3A_112 = tpu.vector_load %arg9[%swap3A_110, %swap3A_111] {strides = array<i32>} : memref<16x128xf32, #tpu.memory_space<vmem>>, vector<1x16xf32>,
    %swap3A_113 = vector.shape_cast %swap3A_112 : vector<1x16xf32> to vector<16xf32>
    %swap3A_114 = vector.shape_cast %broadcast_in_dim3A_1 : vector<16xf32> to vector<1x16xf32>
    tpu.vector_store %arg9[%swap3A_110, %swap3A_111], %swap3A_114 {strides = array<i32>} : memref<16x128xf32, #tpu.memory_space<vmem>>, vector<1x16xf32>,
    %swap3A_115 = arith.constant 2 : i32
    %swap3A_116 = arith.index_cast %swap3A_115 : i32 to index
    %swap3A_117 = arith.constant 48 : index
    %swap3A_118 = tpu.vector_load %arg9[%swap3A_116, %swap3A_117] {strides = array<i32>} : memref<16x128xf32, #tpu.memory_space<vmem>>, vector<1x16xf32>,
    %swap3A_119 = vector.shape_cast %swap3A_118 : vector<1x16xf32> to vector<16xf32>
    %swap3A_120 = vector.shape_cast %broadcast_in_dim3A_1 : vector<16xf32> to vector<1x16xf32>
    tpu.vector_store %arg9[%swap3A_116, %swap3A_117], %swap3A_120 {strides = array<i32>} : memref<16x128xf32, #tpu.memory_space<vmem>>, vector<1x16xf32>,
    %swap3A_121 = arith.constant 2 : i32
    %swap3A_122 = arith.index_cast %swap3A_121 : i32 to index
    %swap3A_123 = arith.constant 64 : index
    %swap3A_124 = tpu.vector_load %arg9[%swap3A_122, %swap3A_123] {strides = array<i32>} : memref<16x128xf32, #tpu.memory_space<vmem>>, vector<1x16xf32>,
    %swap3A_125 = vector.shape_cast %swap3A_124 : vector<1x16xf32> to vector<16xf32>
    %swap3A_126 = vector.shape_cast %broadcast_in_dim3A_1 : vector<16xf32> to vector<1x16xf32>
    tpu.vector_store %arg9[%swap3A_122, %swap3A_123], %swap3A_126 {strides = array<i32>} : memref<16x128xf32, #tpu.memory_space<vmem>>, vector<1x16xf32>,
    %swap3A_127 = arith.constant 2 : i32
    %swap3A_128 = arith.index_cast %swap3A_127 : i32 to index
    %swap3A_129 = arith.constant 80 : index
    %swap3A_130 = tpu.vector_load %arg9[%swap3A_128, %swap3A_129] {strides = array<i32>} : memref<16x128xf32, #tpu.memory_space<vmem>>, vector<1x16xf32>,
    %swap3A_131 = vector.shape_cast %swap3A_130 : vector<1x16xf32> to vector<16xf32>
    %swap3A_132 = vector.shape_cast %broadcast_in_dim3A_1 : vector<16xf32> to vector<1x16xf32>
    tpu.vector_store %arg9[%swap3A_128, %swap3A_129], %swap3A_132 {strides = array<i32>} : memref<16x128xf32, #tpu.memory_space<vmem>>, vector<1x16xf32>,
    %swap3A_133 = arith.constant 2 : i32
    %swap3A_134 = arith.index_cast %swap3A_133 : i32 to index
    %swap3A_135 = arith.constant 96 : index
    %swap3A_136 = tpu.vector_load %arg9[%swap3A_134, %swap3A_135] {strides = array<i32>} : memref<16x128xf32, #tpu.memory_space<vmem>>, vector<1x16xf32>,
    %swap3A_137 = vector.shape_cast %swap3A_136 : vector<1x16xf32> to vector<16xf32>
    %swap3A_138 = vector.shape_cast %broadcast_in_dim3A_1 : vector<16xf32> to vector<1x16xf32>
    tpu.vector_store %arg9[%swap3A_134, %swap3A_135], %swap3A_138 {strides = array<i32>} : memref<16x128xf32, #tpu.memory_space<vmem>>, vector<1x16xf32>,
    %swap3A_139 = arith.constant 2 : i32
    %swap3A_140 = arith.index_cast %swap3A_139 : i32 to index
    %swap3A_141 = arith.constant 112 : index
    %swap3A_142 = tpu.vector_load %arg9[%swap3A_140, %swap3A_141] {strides = array<i32>} : memref<16x128xf32, #tpu.memory_space<vmem>>, vector<1x16xf32>,
    %swap3A_143 = vector.shape_cast %swap3A_142 : vector<1x16xf32> to vector<16xf32>
    %swap3A_144 = vector.shape_cast %broadcast_in_dim3A_1 : vector<16xf32> to vector<1x16xf32>
    tpu.vector_store %arg9[%swap3A_140, %swap3A_141], %swap3A_144 {strides = array<i32>} : memref<16x128xf32, #tpu.memory_space<vmem>>, vector<1x16xf32>,
    %swap3A_145 = arith.constant 3 : i32
    %swap3A_146 = arith.index_cast %swap3A_145 : i32 to index
    %swap3A_147 = arith.constant 0 : index
    %swap3A_148 = tpu.vector_load %arg9[%swap3A_146, %swap3A_147] {strides = array<i32>} : memref<16x128xf32, #tpu.memory_space<vmem>>, vector<1x16xf32>,
    %swap3A_149 = vector.shape_cast %swap3A_148 : vector<1x16xf32> to vector<16xf32>
    %swap3A_150 = vector.shape_cast %broadcast_in_dim3A_1 : vector<16xf32> to vector<1x16xf32>
    tpu.vector_store %arg9[%swap3A_146, %swap3A_147], %swap3A_150 {strides = array<i32>} : memref<16x128xf32, #tpu.memory_space<vmem>>, vector<1x16xf32>,
    %swap3A_151 = arith.constant 3 : i32
    %swap3A_152 = arith.index_cast %swap3A_151 : i32 to index
    %swap3A_153 = arith.constant 16 : index
    %swap3A_154 = tpu.vector_load %arg9[%swap3A_152, %swap3A_153] {strides = array<i32>} : memref<16x128xf32, #tpu.memory_space<vmem>>, vector<1x16xf32>,
    %swap3A_155 = vector.shape_cast %swap3A_154 : vector<1x16xf32> to vector<16xf32>
    %swap3A_156 = vector.shape_cast %broadcast_in_dim3A_1 : vector<16xf32> to vector<1x16xf32>
    tpu.vector_store %arg9[%swap3A_152, %swap3A_153], %swap3A_156 {strides = array<i32>} : memref<16x128xf32, #tpu.memory_space<vmem>>, vector<1x16xf32>,
    %swap3A_157 = arith.constant 3 : i32
    %swap3A_158 = arith.index_cast %swap3A_157 : i32 to index
    %swap3A_159 = arith.constant 32 : index
    %swap3A_160 = tpu.vector_load %arg9[%swap3A_158, %swap3A_159] {strides = array<i32>} : memref<16x128xf32, #tpu.memory_space<vmem>>, vector<1x16xf32>,
    %swap3A_161 = vector.shape_cast %swap3A_160 : vector<1x16xf32> to vector<16xf32>
    %swap3A_162 = vector.shape_cast %broadcast_in_dim3A_1 : vector<16xf32> to vector<1x16xf32>
    tpu.vector_store %arg9[%swap3A_158, %swap3A_159], %swap3A_162 {strides = array<i32>} : memref<16x128xf32, #tpu.memory_space<vmem>>, vector<1x16xf32>,
    %swap3A_163 = arith.constant 3 : i32
    %swap3A_164 = arith.index_cast %swap3A_163 : i32 to index
    %swap3A_165 = arith.constant 48 : index
    %swap3A_166 = tpu.vector_load %arg9[%swap3A_164, %swap3A_165] {strides = array<i32>} : memref<16x128xf32, #tpu.memory_space<vmem>>, vector<1x16xf32>,
    %swap3A_167 = vector.shape_cast %swap3A_166 : vector<1x16xf32> to vector<16xf32>
    %swap3A_168 = vector.shape_cast %broadcast_in_dim3A_1 : vector<16xf32> to vector<1x16xf32>
    tpu.vector_store %arg9[%swap3A_164, %swap3A_165], %swap3A_168 {strides = array<i32>} : memref<16x128xf32, #tpu.memory_space<vmem>>, vector<1x16xf32>,
    %swap3A_169 = arith.constant 3 : i32
    %swap3A_170 = arith.index_cast %swap3A_169 : i32 to index
    %swap3A_171 = arith.constant 64 : index
    %swap3A_172 = tpu.vector_load %arg9[%swap3A_170, %swap3A_171] {strides = array<i32>} : memref<16x128xf32, #tpu.memory_space<vmem>>, vector<1x16xf32>,
    %swap3A_173 = vector.shape_cast %swap3A_172 : vector<1x16xf32> to vector<16xf32>
    %swap3A_174 = vector.shape_cast %broadcast_in_dim3A_1 : vector<16xf32> to vector<1x16xf32>
    tpu.vector_store %arg9[%swap3A_170, %swap3A_171], %swap3A_174 {strides = array<i32>} : memref<16x128xf32, #tpu.memory_space<vmem>>, vector<1x16xf32>,
    %swap3A_175 = arith.constant 3 : i32
    %swap3A_176 = arith.index_cast %swap3A_175 : i32 to index
    %swap3A_177 = arith.constant 80 : index
    %swap3A_178 = tpu.vector_load %arg9[%swap3A_176, %swap3A_177] {strides = array<i32>} : memref<16x128xf32, #tpu.memory_space<vmem>>, vector<1x16xf32>,
    %swap3A_179 = vector.shape_cast %swap3A_178 : vector<1x16xf32> to vector<16xf32>
    %swap3A_180 = vector.shape_cast %broadcast_in_dim3A_1 : vector<16xf32> to vector<1x16xf32>
    tpu.vector_store %arg9[%swap3A_176, %swap3A_177], %swap3A_180 {strides = array<i32>} : memref<16x128xf32, #tpu.memory_space<vmem>>, vector<1x16xf32>,
    %swap3A_181 = arith.constant 3 : i32
    %swap3A_182 = arith.index_cast %swap3A_181 : i32 to index
    %swap3A_183 = arith.constant 96 : index
    %swap3A_184 = tpu.vector_load %arg9[%swap3A_182, %swap3A_183] {strides = array<i32>} : memref<16x128xf32, #tpu.memory_space<vmem>>, vector<1x16xf32>,
    %swap3A_185 = vector.shape_cast %swap3A_184 : vector<1x16xf32> to vector<16xf32>
    %swap3A_186 = vector.shape_cast %broadcast_in_dim3A_1 : vector<16xf32> to vector<1x16xf32>
    tpu.vector_store %arg9[%swap3A_182, %swap3A_183], %swap3A_186 {strides = array<i32>} : memref<16x128xf32, #tpu.memory_space<vmem>>, vector<1x16xf32>,
    %swap3A_187 = arith.constant 3 : i32
    %swap3A_188 = arith.index_cast %swap3A_187 : i32 to index
    %swap3A_189 = arith.constant 112 : index
    %swap3A_190 = tpu.vector_load %arg9[%swap3A_188, %swap3A_189] {strides = array<i32>} : memref<16x128xf32, #tpu.memory_space<vmem>>, vector<1x16xf32>,
    %swap3A_191 = vector.shape_cast %swap3A_190 : vector<1x16xf32> to vector<16xf32>
    %swap3A_192 = vector.shape_cast %broadcast_in_dim3A_1 : vector<16xf32> to vector<1x16xf32>
    tpu.vector_store %arg9[%swap3A_188, %swap3A_189], %swap3A_192 {strides = array<i32>} : memref<16x128xf32, #tpu.memory_space<vmem>>, vector<1x16xf32>,
    %swap3A_193 = arith.constant 4 : i32
    %swap3A_194 = arith.index_cast %swap3A_193 : i32 to index
    %swap3A_195 = arith.constant 0 : index
    %swap3A_196 = tpu.vector_load %arg9[%swap3A_194, %swap3A_195] {strides = array<i32>} : memref<16x128xf32, #tpu.memory_space<vmem>>, vector<1x16xf32>,
    %swap3A_197 = vector.shape_cast %swap3A_196 : vector<1x16xf32> to vector<16xf32>
    %swap3A_198 = vector.shape_cast %broadcast_in_dim3A_1 : vector<16xf32> to vector<1x16xf32>
    tpu.vector_store %arg9[%swap3A_194, %swap3A_195], %swap3A_198 {strides = array<i32>} : memref<16x128xf32, #tpu.memory_space<vmem>>, vector<1x16xf32>,
    %swap3A_199 = arith.constant 4 : i32
    %swap3A_200 = arith.index_cast %swap3A_199 : i32 to index
    %swap3A_201 = arith.constant 16 : index
    %swap3A_202 = tpu.vector_load %arg9[%swap3A_200, %swap3A_201] {strides = array<i32>} : memref<16x128xf32, #tpu.memory_space<vmem>>, vector<1x16xf32>,
    %swap3A_203 = vector.shape_cast %swap3A_202 : vector<1x16xf32> to vector<16xf32>
    %swap3A_204 = vector.shape_cast %broadcast_in_dim3A_1 : vector<16xf32> to vector<1x16xf32>
    tpu.vector_store %arg9[%swap3A_200, %swap3A_201], %swap3A_204 {strides = array<i32>} : memref<16x128xf32, #tpu.memory_space<vmem>>, vector<1x16xf32>,
    %swap3A_205 = arith.constant 4 : i32
    %swap3A_206 = arith.index_cast %swap3A_205 : i32 to index
    %swap3A_207 = arith.constant 32 : index
    %swap3A_208 = tpu.vector_load %arg9[%swap3A_206, %swap3A_207] {strides = array<i32>} : memref<16x128xf32, #tpu.memory_space<vmem>>, vector<1x16xf32>,
    %swap3A_209 = vector.shape_cast %swap3A_208 : vector<1x16xf32> to vector<16xf32>
    %swap3A_210 = vector.shape_cast %broadcast_in_dim3A_1 : vector<16xf32> to vector<1x16xf32>
    tpu.vector_store %arg9[%swap3A_206, %swap3A_207], %swap3A_210 {strides = array<i32>} : memref<16x128xf32, #tpu.memory_space<vmem>>, vector<1x16xf32>,
    %swap3A_211 = arith.constant 4 : i32
    %swap3A_212 = arith.index_cast %swap3A_211 : i32 to index
    %swap3A_213 = arith.constant 48 : index
    %swap3A_214 = tpu.vector_load %arg9[%swap3A_212, %swap3A_213] {strides = array<i32>} : memref<16x128xf32, #tpu.memory_space<vmem>>, vector<1x16xf32>,
    %swap3A_215 = vector.shape_cast %swap3A_214 : vector<1x16xf32> to vector<16xf32>
    %swap3A_216 = vector.shape_cast %broadcast_in_dim3A_1 : vector<16xf32> to vector<1x16xf32>
    tpu.vector_store %arg9[%swap3A_212, %swap3A_213], %swap3A_216 {strides = array<i32>} : memref<16x128xf32, #tpu.memory_space<vmem>>, vector<1x16xf32>,
    %swap3A_217 = arith.constant 4 : i32
    %swap3A_218 = arith.index_cast %swap3A_217 : i32 to index
    %swap3A_219 = arith.constant 64 : index
    %swap3A_220 = tpu.vector_load %arg9[%swap3A_218, %swap3A_219] {strides = array<i32>} : memref<16x128xf32, #tpu.memory_space<vmem>>, vector<1x16xf32>,
    %swap3A_221 = vector.shape_cast %swap3A_220 : vector<1x16xf32> to vector<16xf32>
    %swap3A_222 = vector.shape_cast %broadcast_in_dim3A_1 : vector<16xf32> to vector<1x16xf32>
    tpu.vector_store %arg9[%swap3A_218, %swap3A_219], %swap3A_222 {strides = array<i32>} : memref<16x128xf32, #tpu.memory_space<vmem>>, vector<1x16xf32>,
    %swap3A_223 = arith.constant 4 : i32
    %swap3A_224 = arith.index_cast %swap3A_223 : i32 to index
    %swap3A_225 = arith.constant 80 : index
    %swap3A_226 = tpu.vector_load %arg9[%swap3A_224, %swap3A_225] {strides = array<i32>} : memref<16x128xf32, #tpu.memory_space<vmem>>, vector<1x16xf32>,
    %swap3A_227 = vector.shape_cast %swap3A_226 : vector<1x16xf32> to vector<16xf32>
    %swap3A_228 = vector.shape_cast %broadcast_in_dim3A_1 : vector<16xf32> to vector<1x16xf32>
    tpu.vector_store %arg9[%swap3A_224, %swap3A_225], %swap3A_228 {strides = array<i32>} : memref<16x128xf32, #tpu.memory_space<vmem>>, vector<1x16xf32>,
    %swap3A_229 = arith.constant 4 : i32
    %swap3A_230 = arith.index_cast %swap3A_229 : i32 to index
    %swap3A_231 = arith.constant 96 : index
    %swap3A_232 = tpu.vector_load %arg9[%swap3A_230, %swap3A_231] {strides = array<i32>} : memref<16x128xf32, #tpu.memory_space<vmem>>, vector<1x16xf32>,
    %swap3A_233 = vector.shape_cast %swap3A_232 : vector<1x16xf32> to vector<16xf32>
    %swap3A_234 = vector.shape_cast %broadcast_in_dim3A_1 : vector<16xf32> to vector<1x16xf32>
    tpu.vector_store %arg9[%swap3A_230, %swap3A_231], %swap3A_234 {strides = array<i32>} : memref<16x128xf32, #tpu.memory_space<vmem>>, vector<1x16xf32>,
    %swap3A_235 = arith.constant 4 : i32
    %swap3A_236 = arith.index_cast %swap3A_235 : i32 to index
    %swap3A_237 = arith.constant 112 : index
    %swap3A_238 = tpu.vector_load %arg9[%swap3A_236, %swap3A_237] {strides = array<i32>} : memref<16x128xf32, #tpu.memory_space<vmem>>, vector<1x16xf32>,
    %swap3A_239 = vector.shape_cast %swap3A_238 : vector<1x16xf32> to vector<16xf32>
    %swap3A_240 = vector.shape_cast %broadcast_in_dim3A_1 : vector<16xf32> to vector<1x16xf32>
    tpu.vector_store %arg9[%swap3A_236, %swap3A_237], %swap3A_240 {strides = array<i32>} : memref<16x128xf32, #tpu.memory_space<vmem>>, vector<1x16xf32>,
    %swap3A_241 = arith.constant 5 : i32
    %swap3A_242 = arith.index_cast %swap3A_241 : i32 to index
    %swap3A_243 = arith.constant 0 : index
    %swap3A_244 = tpu.vector_load %arg9[%swap3A_242, %swap3A_243] {strides = array<i32>} : memref<16x128xf32, #tpu.memory_space<vmem>>, vector<1x16xf32>,
    %swap3A_245 = vector.shape_cast %swap3A_244 : vector<1x16xf32> to vector<16xf32>
    %swap3A_246 = vector.shape_cast %broadcast_in_dim3A_1 : vector<16xf32> to vector<1x16xf32>
    tpu.vector_store %arg9[%swap3A_242, %swap3A_243], %swap3A_246 {strides = array<i32>} : memref<16x128xf32, #tpu.memory_space<vmem>>, vector<1x16xf32>,
    %swap3A_247 = arith.constant 5 : i32
    %swap3A_248 = arith.index_cast %swap3A_247 : i32 to index
    %swap3A_249 = arith.constant 16 : index
    %swap3A_250 = tpu.vector_load %arg9[%swap3A_248, %swap3A_249] {strides = array<i32>} : memref<16x128xf32, #tpu.memory_space<vmem>>, vector<1x16xf32>,
    %swap3A_251 = vector.shape_cast %swap3A_250 : vector<1x16xf32> to vector<16xf32>
    %swap3A_252 = vector.shape_cast %broadcast_in_dim3A_1 : vector<16xf32> to vector<1x16xf32>
    tpu.vector_store %arg9[%swap3A_248, %swap3A_249], %swap3A_252 {strides = array<i32>} : memref<16x128xf32, #tpu.memory_space<vmem>>, vector<1x16xf32>,
    %swap3A_253 = arith.constant 5 : i32
    %swap3A_254 = arith.index_cast %swap3A_253 : i32 to index
    %swap3A_255 = arith.constant 32 : index
    %swap3A_256 = tpu.vector_load %arg9[%swap3A_254, %swap3A_255] {strides = array<i32>} : memref<16x128xf32, #tpu.memory_space<vmem>>, vector<1x16xf32>,
    %swap3A_257 = vector.shape_cast %swap3A_256 : vector<1x16xf32> to vector<16xf32>
    %swap3A_258 = vector.shape_cast %broadcast_in_dim3A_1 : vector<16xf32> to vector<1x16xf32>
    tpu.vector_store %arg9[%swap3A_254, %swap3A_255], %swap3A_258 {strides = array<i32>} : memref<16x128xf32, #tpu.memory_space<vmem>>, vector<1x16xf32>,
    %swap3A_259 = arith.constant 5 : i32
    %swap3A_260 = arith.index_cast %swap3A_259 : i32 to index
    %swap3A_261 = arith.constant 48 : index
    %swap3A_262 = tpu.vector_load %arg9[%swap3A_260, %swap3A_261] {strides = array<i32>} : memref<16x128xf32, #tpu.memory_space<vmem>>, vector<1x16xf32>,
    %swap3A_263 = vector.shape_cast %swap3A_262 : vector<1x16xf32> to vector<16xf32>
    %swap3A_264 = vector.shape_cast %broadcast_in_dim3A_1 : vector<16xf32> to vector<1x16xf32>
    tpu.vector_store %arg9[%swap3A_260, %swap3A_261], %swap3A_264 {strides = array<i32>} : memref<16x128xf32, #tpu.memory_space<vmem>>, vector<1x16xf32>,
    %swap3A_265 = arith.constant 5 : i32
    %swap3A_266 = arith.index_cast %swap3A_265 : i32 to index
    %swap3A_267 = arith.constant 64 : index
    %swap3A_268 = tpu.vector_load %arg9[%swap3A_266, %swap3A_267] {strides = array<i32>} : memref<16x128xf32, #tpu.memory_space<vmem>>, vector<1x16xf32>,
    %swap3A_269 = vector.shape_cast %swap3A_268 : vector<1x16xf32> to vector<16xf32>
    %swap3A_270 = vector.shape_cast %broadcast_in_dim3A_1 : vector<16xf32> to vector<1x16xf32>
    tpu.vector_store %arg9[%swap3A_266, %swap3A_267], %swap3A_270 {strides = array<i32>} : memref<16x128xf32, #tpu.memory_space<vmem>>, vector<1x16xf32>,
    %swap3A_271 = arith.constant 5 : i32
    %swap3A_272 = arith.index_cast %swap3A_271 : i32 to index
    %swap3A_273 = arith.constant 80 : index
    %swap3A_274 = tpu.vector_load %arg9[%swap3A_272, %swap3A_273] {strides = array<i32>} : memref<16x128xf32, #tpu.memory_space<vmem>>, vector<1x16xf32>,
    %swap3A_275 = vector.shape_cast %swap3A_274 : vector<1x16xf32> to vector<16xf32>
    %swap3A_276 = vector.shape_cast %broadcast_in_dim3A_1 : vector<16xf32> to vector<1x16xf32>
    tpu.vector_store %arg9[%swap3A_272, %swap3A_273], %swap3A_276 {strides = array<i32>} : memref<16x128xf32, #tpu.memory_space<vmem>>, vector<1x16xf32>,
    %swap3A_277 = arith.constant 5 : i32
    %swap3A_278 = arith.index_cast %swap3A_277 : i32 to index
    %swap3A_279 = arith.constant 96 : index
    %swap3A_280 = tpu.vector_load %arg9[%swap3A_278, %swap3A_279] {strides = array<i32>} : memref<16x128xf32, #tpu.memory_space<vmem>>, vector<1x16xf32>,
    %swap3A_281 = vector.shape_cast %swap3A_280 : vector<1x16xf32> to vector<16xf32>
    %swap3A_282 = vector.shape_cast %broadcast_in_dim3A_1 : vector<16xf32> to vector<1x16xf32>
    tpu.vector_store %arg9[%swap3A_278, %swap3A_279], %swap3A_282 {strides = array<i32>} : memref<16x128xf32, #tpu.memory_space<vmem>>, vector<1x16xf32>,
    %swap3A_283 = arith.constant 5 : i32
    %swap3A_284 = arith.index_cast %swap3A_283 : i32 to index
    %swap3A_285 = arith.constant 112 : index
    %swap3A_286 = tpu.vector_load %arg9[%swap3A_284, %swap3A_285] {strides = array<i32>} : memref<16x128xf32, #tpu.memory_space<vmem>>, vector<1x16xf32>,
    %swap3A_287 = vector.shape_cast %swap3A_286 : vector<1x16xf32> to vector<16xf32>
    %swap3A_288 = vector.shape_cast %broadcast_in_dim3A_1 : vector<16xf32> to vector<1x16xf32>
    tpu.vector_store %arg9[%swap3A_284, %swap3A_285], %swap3A_288 {strides = array<i32>} : memref<16x128xf32, #tpu.memory_space<vmem>>, vector<1x16xf32>,
    %swap3A_289 = arith.constant 6 : i32
    %swap3A_290 = arith.index_cast %swap3A_289 : i32 to index
    %swap3A_291 = arith.constant 0 : index
    %swap3A_292 = tpu.vector_load %arg9[%swap3A_290, %swap3A_291] {strides = array<i32>} : memref<16x128xf32, #tpu.memory_space<vmem>>, vector<1x16xf32>,
    %swap3A_293 = vector.shape_cast %swap3A_292 : vector<1x16xf32> to vector<16xf32>
    %swap3A_294 = vector.shape_cast %broadcast_in_dim3A_1 : vector<16xf32> to vector<1x16xf32>
    tpu.vector_store %arg9[%swap3A_290, %swap3A_291], %swap3A_294 {strides = array<i32>} : memref<16x128xf32, #tpu.memory_space<vmem>>, vector<1x16xf32>,
    %swap3A_295 = arith.constant 6 : i32
    %swap3A_296 = arith.index_cast %swap3A_295 : i32 to index
    %swap3A_297 = arith.constant 16 : index
    %swap3A_298 = tpu.vector_load %arg9[%swap3A_296, %swap3A_297] {strides = array<i32>} : memref<16x128xf32, #tpu.memory_space<vmem>>, vector<1x16xf32>,
    %swap3A_299 = vector.shape_cast %swap3A_298 : vector<1x16xf32> to vector<16xf32>
    %swap3A_300 = vector.shape_cast %broadcast_in_dim3A_1 : vector<16xf32> to vector<1x16xf32>
    tpu.vector_store %arg9[%swap3A_296, %swap3A_297], %swap3A_300 {strides = array<i32>} : memref<16x128xf32, #tpu.memory_space<vmem>>, vector<1x16xf32>,
    %swap3A_301 = arith.constant 6 : i32
    %swap3A_302 = arith.index_cast %swap3A_301 : i32 to index
    %swap3A_303 = arith.constant 32 : index
    %swap3A_304 = tpu.vector_load %arg9[%swap3A_302, %swap3A_303] {strides = array<i32>} : memref<16x128xf32, #tpu.memory_space<vmem>>, vector<1x16xf32>,
    %swap3A_305 = vector.shape_cast %swap3A_304 : vector<1x16xf32> to vector<16xf32>
    %swap3A_306 = vector.shape_cast %broadcast_in_dim3A_1 : vector<16xf32> to vector<1x16xf32>
    tpu.vector_store %arg9[%swap3A_302, %swap3A_303], %swap3A_306 {strides = array<i32>} : memref<16x128xf32, #tpu.memory_space<vmem>>, vector<1x16xf32>,
    %swap3A_307 = arith.constant 6 : i32
    %swap3A_308 = arith.index_cast %swap3A_307 : i32 to index
    %swap3A_309 = arith.constant 48 : index
    %swap3A_310 = tpu.vector_load %arg9[%swap3A_308, %swap3A_309] {strides = array<i32>} : memref<16x128xf32, #tpu.memory_space<vmem>>, vector<1x16xf32>,
    %swap3A_311 = vector.shape_cast %swap3A_310 : vector<1x16xf32> to vector<16xf32>
    %swap3A_312 = vector.shape_cast %broadcast_in_dim3A_1 : vector<16xf32> to vector<1x16xf32>
    tpu.vector_store %arg9[%swap3A_308, %swap3A_309], %swap3A_312 {strides = array<i32>} : memref<16x128xf32, #tpu.memory_space<vmem>>, vector<1x16xf32>,
    %swap3A_313 = arith.constant 6 : i32
    %swap3A_314 = arith.index_cast %swap3A_313 : i32 to index
    %swap3A_315 = arith.constant 64 : index
    %swap3A_316 = tpu.vector_load %arg9[%swap3A_314, %swap3A_315] {strides = array<i32>} : memref<16x128xf32, #tpu.memory_space<vmem>>, vector<1x16xf32>,
    %swap3A_317 = vector.shape_cast %swap3A_316 : vector<1x16xf32> to vector<16xf32>
    %swap3A_318 = vector.shape_cast %broadcast_in_dim3A_1 : vector<16xf32> to vector<1x16xf32>
    tpu.vector_store %arg9[%swap3A_314, %swap3A_315], %swap3A_318 {strides = array<i32>} : memref<16x128xf32, #tpu.memory_space<vmem>>, vector<1x16xf32>,
    %swap3A_319 = arith.constant 6 : i32
    %swap3A_320 = arith.index_cast %swap3A_319 : i32 to index
    %swap3A_321 = arith.constant 80 : index
    %swap3A_322 = tpu.vector_load %arg9[%swap3A_320, %swap3A_321] {strides = array<i32>} : memref<16x128xf32, #tpu.memory_space<vmem>>, vector<1x16xf32>,
    %swap3A_323 = vector.shape_cast %swap3A_322 : vector<1x16xf32> to vector<16xf32>
    %swap3A_324 = vector.shape_cast %broadcast_in_dim3A_1 : vector<16xf32> to vector<1x16xf32>
    tpu.vector_store %arg9[%swap3A_320, %swap3A_321], %swap3A_324 {strides = array<i32>} : memref<16x128xf32, #tpu.memory_space<vmem>>, vector<1x16xf32>,
    %swap3A_325 = arith.constant 6 : i32
    %swap3A_326 = arith.index_cast %swap3A_325 : i32 to index
    %swap3A_327 = arith.constant 96 : index
    %swap3A_328 = tpu.vector_load %arg9[%swap3A_326, %swap3A_327] {strides = array<i32>} : memref<16x128xf32, #tpu.memory_space<vmem>>, vector<1x16xf32>,
    %swap3A_329 = vector.shape_cast %swap3A_328 : vector<1x16xf32> to vector<16xf32>
    %swap3A_330 = vector.shape_cast %broadcast_in_dim3A_1 : vector<16xf32> to vector<1x16xf32>
    tpu.vector_store %arg9[%swap3A_326, %swap3A_327], %swap3A_330 {strides = array<i32>} : memref<16x128xf32, #tpu.memory_space<vmem>>, vector<1x16xf32>,
    %swap3A_331 = arith.constant 6 : i32
    %swap3A_332 = arith.index_cast %swap3A_331 : i32 to index
    %swap3A_333 = arith.constant 112 : index
    %swap3A_334 = tpu.vector_load %arg9[%swap3A_332, %swap3A_333] {strides = array<i32>} : memref<16x128xf32, #tpu.memory_space<vmem>>, vector<1x16xf32>,
    %swap3A_335 = vector.shape_cast %swap3A_334 : vector<1x16xf32> to vector<16xf32>
    %swap3A_336 = vector.shape_cast %broadcast_in_dim3A_1 : vector<16xf32> to vector<1x16xf32>
    tpu.vector_store %arg9[%swap3A_332, %swap3A_333], %swap3A_336 {strides = array<i32>} : memref<16x128xf32, #tpu.memory_space<vmem>>, vector<1x16xf32>,
    %swap3A_337 = arith.constant 7 : i32
    %swap3A_338 = arith.index_cast %swap3A_337 : i32 to index
    %swap3A_339 = arith.constant 0 : index
    %swap3A_340 = tpu.vector_load %arg9[%swap3A_338, %swap3A_339] {strides = array<i32>} : memref<16x128xf32, #tpu.memory_space<vmem>>, vector<1x16xf32>,
    %swap3A_341 = vector.shape_cast %swap3A_340 : vector<1x16xf32> to vector<16xf32>
    %swap3A_342 = vector.shape_cast %broadcast_in_dim3A_1 : vector<16xf32> to vector<1x16xf32>
    tpu.vector_store %arg9[%swap3A_338, %swap3A_339], %swap3A_342 {strides = array<i32>} : memref<16x128xf32, #tpu.memory_space<vmem>>, vector<1x16xf32>,
    %swap3A_343 = arith.constant 7 : i32
    %swap3A_344 = arith.index_cast %swap3A_343 : i32 to index
    %swap3A_345 = arith.constant 16 : index
    %swap3A_346 = tpu.vector_load %arg9[%swap3A_344, %swap3A_345] {strides = array<i32>} : memref<16x128xf32, #tpu.memory_space<vmem>>, vector<1x16xf32>,
    %swap3A_347 = vector.shape_cast %swap3A_346 : vector<1x16xf32> to vector<16xf32>
    %swap3A_348 = vector.shape_cast %broadcast_in_dim3A_1 : vector<16xf32> to vector<1x16xf32>
    tpu.vector_store %arg9[%swap3A_344, %swap3A_345], %swap3A_348 {strides = array<i32>} : memref<16x128xf32, #tpu.memory_space<vmem>>, vector<1x16xf32>,
    %swap3A_349 = arith.constant 7 : i32
    %swap3A_350 = arith.index_cast %swap3A_349 : i32 to index
    %swap3A_351 = arith.constant 32 : index
    %swap3A_352 = tpu.vector_load %arg9[%swap3A_350, %swap3A_351] {strides = array<i32>} : memref<16x128xf32, #tpu.memory_space<vmem>>, vector<1x16xf32>,
    %swap3A_353 = vector.shape_cast %swap3A_352 : vector<1x16xf32> to vector<16xf32>
    %swap3A_354 = vector.shape_cast %broadcast_in_dim3A_1 : vector<16xf32> to vector<1x16xf32>
    tpu.vector_store %arg9[%swap3A_350, %swap3A_351], %swap3A_354 {strides = array<i32>} : memref<16x128xf32, #tpu.memory_space<vmem>>, vector<1x16xf32>,
    %swap3A_355 = arith.constant 7 : i32
    %swap3A_356 = arith.index_cast %swap3A_355 : i32 to index
    %swap3A_357 = arith.constant 48 : index
    %swap3A_358 = tpu.vector_load %arg9[%swap3A_356, %swap3A_357] {strides = array<i32>} : memref<16x128xf32, #tpu.memory_space<vmem>>, vector<1x16xf32>,
    %swap3A_359 = vector.shape_cast %swap3A_358 : vector<1x16xf32> to vector<16xf32>
    %swap3A_360 = vector.shape_cast %broadcast_in_dim3A_1 : vector<16xf32> to vector<1x16xf32>
    tpu.vector_store %arg9[%swap3A_356, %swap3A_357], %swap3A_360 {strides = array<i32>} : memref<16x128xf32, #tpu.memory_space<vmem>>, vector<1x16xf32>,
    %swap3A_361 = arith.constant 7 : i32
    %swap3A_362 = arith.index_cast %swap3A_361 : i32 to index
    %swap3A_363 = arith.constant 64 : index
    %swap3A_364 = tpu.vector_load %arg9[%swap3A_362, %swap3A_363] {strides = array<i32>} : memref<16x128xf32, #tpu.memory_space<vmem>>, vector<1x16xf32>,
    %swap3A_365 = vector.shape_cast %swap3A_364 : vector<1x16xf32> to vector<16xf32>
    %swap3A_366 = vector.shape_cast %broadcast_in_dim3A_1 : vector<16xf32> to vector<1x16xf32>
    tpu.vector_store %arg9[%swap3A_362, %swap3A_363], %swap3A_366 {strides = array<i32>} : memref<16x128xf32, #tpu.memory_space<vmem>>, vector<1x16xf32>,
    %swap3A_367 = arith.constant 7 : i32
    %swap3A_368 = arith.index_cast %swap3A_367 : i32 to index
    %swap3A_369 = arith.constant 80 : index
    %swap3A_370 = tpu.vector_load %arg9[%swap3A_368, %swap3A_369] {strides = array<i32>} : memref<16x128xf32, #tpu.memory_space<vmem>>, vector<1x16xf32>,
    %swap3A_371 = vector.shape_cast %swap3A_370 : vector<1x16xf32> to vector<16xf32>
    %swap3A_372 = vector.shape_cast %broadcast_in_dim3A_1 : vector<16xf32> to vector<1x16xf32>
    tpu.vector_store %arg9[%swap3A_368, %swap3A_369], %swap3A_372 {strides = array<i32>} : memref<16x128xf32, #tpu.memory_space<vmem>>, vector<1x16xf32>,
    %swap3A_373 = arith.constant 7 : i32
    %swap3A_374 = arith.index_cast %swap3A_373 : i32 to index
    %swap3A_375 = arith.constant 96 : index
    %swap3A_376 = tpu.vector_load %arg9[%swap3A_374, %swap3A_375] {strides = array<i32>} : memref<16x128xf32, #tpu.memory_space<vmem>>, vector<1x16xf32>,
    %swap3A_377 = vector.shape_cast %swap3A_376 : vector<1x16xf32> to vector<16xf32>
    %swap3A_378 = vector.shape_cast %broadcast_in_dim3A_1 : vector<16xf32> to vector<1x16xf32>
    tpu.vector_store %arg9[%swap3A_374, %swap3A_375], %swap3A_378 {strides = array<i32>} : memref<16x128xf32, #tpu.memory_space<vmem>>, vector<1x16xf32>,
    %swap3A_379 = arith.constant 7 : i32
    %swap3A_380 = arith.index_cast %swap3A_379 : i32 to index
    %swap3A_381 = arith.constant 112 : index
    %swap3A_382 = tpu.vector_load %arg9[%swap3A_380, %swap3A_381] {strides = array<i32>} : memref<16x128xf32, #tpu.memory_space<vmem>>, vector<1x16xf32>,
    %swap3A_383 = vector.shape_cast %swap3A_382 : vector<1x16xf32> to vector<16xf32>
    %swap3A_384 = vector.shape_cast %broadcast_in_dim3A_1 : vector<16xf32> to vector<1x16xf32>
    tpu.vector_store %arg9[%swap3A_380, %swap3A_381], %swap3A_384 {strides = array<i32>} : memref<16x128xf32, #tpu.memory_space<vmem>>, vector<1x16xf32>,
    %swap3A_385 = arith.constant 8 : i32
    %swap3A_386 = arith.index_cast %swap3A_385 : i32 to index
    %swap3A_387 = arith.constant 0 : index
    %swap3A_388 = tpu.vector_load %arg9[%swap3A_386, %swap3A_387] {strides = array<i32>} : memref<16x128xf32, #tpu.memory_space<vmem>>, vector<1x16xf32>,
    %swap3A_389 = vector.shape_cast %swap3A_388 : vector<1x16xf32> to vector<16xf32>
    %swap3A_390 = vector.shape_cast %broadcast_in_dim3A_1 : vector<16xf32> to vector<1x16xf32>
    tpu.vector_store %arg9[%swap3A_386, %swap3A_387], %swap3A_390 {strides = array<i32>} : memref<16x128xf32, #tpu.memory_space<vmem>>, vector<1x16xf32>,
    %swap3A_391 = arith.constant 8 : i32
    %swap3A_392 = arith.index_cast %swap3A_391 : i32 to index
    %swap3A_393 = arith.constant 16 : index
    %swap3A_394 = tpu.vector_load %arg9[%swap3A_392, %swap3A_393] {strides = array<i32>} : memref<16x128xf32, #tpu.memory_space<vmem>>, vector<1x16xf32>,
    %swap3A_395 = vector.shape_cast %swap3A_394 : vector<1x16xf32> to vector<16xf32>
    %swap3A_396 = vector.shape_cast %broadcast_in_dim3A_1 : vector<16xf32> to vector<1x16xf32>
    tpu.vector_store %arg9[%swap3A_392, %swap3A_393], %swap3A_396 {strides = array<i32>} : memref<16x128xf32, #tpu.memory_space<vmem>>, vector<1x16xf32>,
    %swap3A_397 = arith.constant 8 : i32
    %swap3A_398 = arith.index_cast %swap3A_397 : i32 to index
    %swap3A_399 = arith.constant 32 : index
    %swap3A_400 = tpu.vector_load %arg9[%swap3A_398, %swap3A_399] {strides = array<i32>} : memref<16x128xf32, #tpu.memory_space<vmem>>, vector<1x16xf32>,
    %swap3A_401 = vector.shape_cast %swap3A_400 : vector<1x16xf32> to vector<16xf32>
    %swap3A_402 = vector.shape_cast %broadcast_in_dim3A_1 : vector<16xf32> to vector<1x16xf32>
    tpu.vector_store %arg9[%swap3A_398, %swap3A_399], %swap3A_402 {strides = array<i32>} : memref<16x128xf32, #tpu.memory_space<vmem>>, vector<1x16xf32>,
    %swap3A_403 = arith.constant 8 : i32
    %swap3A_404 = arith.index_cast %swap3A_403 : i32 to index
    %swap3A_405 = arith.constant 48 : index
    %swap3A_406 = tpu.vector_load %arg9[%swap3A_404, %swap3A_405] {strides = array<i32>} : memref<16x128xf32, #tpu.memory_space<vmem>>, vector<1x16xf32>,
    %swap3A_407 = vector.shape_cast %swap3A_406 : vector<1x16xf32> to vector<16xf32>
    %swap3A_408 = vector.shape_cast %broadcast_in_dim3A_1 : vector<16xf32> to vector<1x16xf32>
    tpu.vector_store %arg9[%swap3A_404, %swap3A_405], %swap3A_408 {strides = array<i32>} : memref<16x128xf32, #tpu.memory_space<vmem>>, vector<1x16xf32>,
    %swap3A_409 = arith.constant 8 : i32
    %swap3A_410 = arith.index_cast %swap3A_409 : i32 to index
    %swap3A_411 = arith.constant 64 : index
    %swap3A_412 = tpu.vector_load %arg9[%swap3A_410, %swap3A_411] {strides = array<i32>} : memref<16x128xf32, #tpu.memory_space<vmem>>, vector<1x16xf32>,
    %swap3A_413 = vector.shape_cast %swap3A_412 : vector<1x16xf32> to vector<16xf32>
    %swap3A_414 = vector.shape_cast %broadcast_in_dim3A_1 : vector<16xf32> to vector<1x16xf32>
    tpu.vector_store %arg9[%swap3A_410, %swap3A_411], %swap3A_414 {strides = array<i32>} : memref<16x128xf32, #tpu.memory_space<vmem>>, vector<1x16xf32>,
    %swap3A_415 = arith.constant 8 : i32
    %swap3A_416 = arith.index_cast %swap3A_415 : i32 to index
    %swap3A_417 = arith.constant 80 : index
    %swap3A_418 = tpu.vector_load %arg9[%swap3A_416, %swap3A_417] {strides = array<i32>} : memref<16x128xf32, #tpu.memory_space<vmem>>, vector<1x16xf32>,
    %swap3A_419 = vector.shape_cast %swap3A_418 : vector<1x16xf32> to vector<16xf32>
    %swap3A_420 = vector.shape_cast %broadcast_in_dim3A_1 : vector<16xf32> to vector<1x16xf32>
    tpu.vector_store %arg9[%swap3A_416, %swap3A_417], %swap3A_420 {strides = array<i32>} : memref<16x128xf32, #tpu.memory_space<vmem>>, vector<1x16xf32>,
    %swap3A_421 = arith.constant 8 : i32
    %swap3A_422 = arith.index_cast %swap3A_421 : i32 to index
    %swap3A_423 = arith.constant 96 : index
    %swap3A_424 = tpu.vector_load %arg9[%swap3A_422, %swap3A_423] {strides = array<i32>} : memref<16x128xf32, #tpu.memory_space<vmem>>, vector<1x16xf32>,
    %swap3A_425 = vector.shape_cast %swap3A_424 : vector<1x16xf32> to vector<16xf32>
    %swap3A_426 = vector.shape_cast %broadcast_in_dim3A_1 : vector<16xf32> to vector<1x16xf32>
    tpu.vector_store %arg9[%swap3A_422, %swap3A_423], %swap3A_426 {strides = array<i32>} : memref<16x128xf32, #tpu.memory_space<vmem>>, vector<1x16xf32>,
    %swap3A_427 = arith.constant 8 : i32
    %swap3A_428 = arith.index_cast %swap3A_427 : i32 to index
    %swap3A_429 = arith.constant 112 : index
    %swap3A_430 = tpu.vector_load %arg9[%swap3A_428, %swap3A_429] {strides = array<i32>} : memref<16x128xf32, #tpu.memory_space<vmem>>, vector<1x16xf32>,
    %swap3A_431 = vector.shape_cast %swap3A_430 : vector<1x16xf32> to vector<16xf32>
    %swap3A_432 = vector.shape_cast %broadcast_in_dim3A_1 : vector<16xf32> to vector<1x16xf32>
    tpu.vector_store %arg9[%swap3A_428, %swap3A_429], %swap3A_432 {strides = array<i32>} : memref<16x128xf32, #tpu.memory_space<vmem>>, vector<1x16xf32>,
    %swap3A_433 = arith.constant 9 : i32
    %swap3A_434 = arith.index_cast %swap3A_433 : i32 to index
    %swap3A_435 = arith.constant 0 : index
    %swap3A_436 = tpu.vector_load %arg9[%swap3A_434, %swap3A_435] {strides = array<i32>} : memref<16x128xf32, #tpu.memory_space<vmem>>, vector<1x16xf32>,
    %swap3A_437 = vector.shape_cast %swap3A_436 : vector<1x16xf32> to vector<16xf32>
    %swap3A_438 = vector.shape_cast %broadcast_in_dim3A_1 : vector<16xf32> to vector<1x16xf32>
    tpu.vector_store %arg9[%swap3A_434, %swap3A_435], %swap3A_438 {strides = array<i32>} : memref<16x128xf32, #tpu.memory_space<vmem>>, vector<1x16xf32>,
    %swap3A_439 = arith.constant 9 : i32
    %swap3A_440 = arith.index_cast %swap3A_439 : i32 to index
    %swap3A_441 = arith.constant 16 : index
    %swap3A_442 = tpu.vector_load %arg9[%swap3A_440, %swap3A_441] {strides = array<i32>} : memref<16x128xf32, #tpu.memory_space<vmem>>, vector<1x16xf32>,
    %swap3A_443 = vector.shape_cast %swap3A_442 : vector<1x16xf32> to vector<16xf32>
    %swap3A_444 = vector.shape_cast %broadcast_in_dim3A_1 : vector<16xf32> to vector<1x16xf32>
    tpu.vector_store %arg9[%swap3A_440, %swap3A_441], %swap3A_444 {strides = array<i32>} : memref<16x128xf32, #tpu.memory_space<vmem>>, vector<1x16xf32>,
    %swap3A_445 = arith.constant 9 : i32
    %swap3A_446 = arith.index_cast %swap3A_445 : i32 to index
    %swap3A_447 = arith.constant 32 : index
    %swap3A_448 = tpu.vector_load %arg9[%swap3A_446, %swap3A_447] {strides = array<i32>} : memref<16x128xf32, #tpu.memory_space<vmem>>, vector<1x16xf32>,
    %swap3A_449 = vector.shape_cast %swap3A_448 : vector<1x16xf32> to vector<16xf32>
    %swap3A_450 = vector.shape_cast %broadcast_in_dim3A_1 : vector<16xf32> to vector<1x16xf32>
    tpu.vector_store %arg9[%swap3A_446, %swap3A_447], %swap3A_450 {strides = array<i32>} : memref<16x128xf32, #tpu.memory_space<vmem>>, vector<1x16xf32>,
    %swap3A_451 = arith.constant 9 : i32
    %swap3A_452 = arith.index_cast %swap3A_451 : i32 to index
    %swap3A_453 = arith.constant 48 : index
    %swap3A_454 = tpu.vector_load %arg9[%swap3A_452, %swap3A_453] {strides = array<i32>} : memref<16x128xf32, #tpu.memory_space<vmem>>, vector<1x16xf32>,
    %swap3A_455 = vector.shape_cast %swap3A_454 : vector<1x16xf32> to vector<16xf32>
    %swap3A_456 = vector.shape_cast %broadcast_in_dim3A_1 : vector<16xf32> to vector<1x16xf32>
    tpu.vector_store %arg9[%swap3A_452, %swap3A_453], %swap3A_456 {strides = array<i32>} : memref<16x128xf32, #tpu.memory_space<vmem>>, vector<1x16xf32>,
    %swap3A_457 = arith.constant 9 : i32
    %swap3A_458 = arith.index_cast %swap3A_457 : i32 to index
    %swap3A_459 = arith.constant 64 : index
    %swap3A_460 = tpu.vector_load %arg9[%swap3A_458, %swap3A_459] {strides = array<i32>} : memref<16x128xf32, #tpu.memory_space<vmem>>, vector<1x16xf32>,
    %swap3A_461 = vector.shape_cast %swap3A_460 : vector<1x16xf32> to vector<16xf32>
    %swap3A_462 = vector.shape_cast %broadcast_in_dim3A_1 : vector<16xf32> to vector<1x16xf32>
    tpu.vector_store %arg9[%swap3A_458, %swap3A_459], %swap3A_462 {strides = array<i32>} : memref<16x128xf32, #tpu.memory_space<vmem>>, vector<1x16xf32>,
    %swap3A_463 = arith.constant 9 : i32
    %swap3A_464 = arith.index_cast %swap3A_463 : i32 to index
    %swap3A_465 = arith.constant 80 : index
    %swap3A_466 = tpu.vector_load %arg9[%swap3A_464, %swap3A_465] {strides = array<i32>} : memref<16x128xf32, #tpu.memory_space<vmem>>, vector<1x16xf32>,
    %swap3A_467 = vector.shape_cast %swap3A_466 : vector<1x16xf32> to vector<16xf32>
    %swap3A_468 = vector.shape_cast %broadcast_in_dim3A_1 : vector<16xf32> to vector<1x16xf32>
    tpu.vector_store %arg9[%swap3A_464, %swap3A_465], %swap3A_468 {strides = array<i32>} : memref<16x128xf32, #tpu.memory_space<vmem>>, vector<1x16xf32>,
    %swap3A_469 = arith.constant 9 : i32
    %swap3A_470 = arith.index_cast %swap3A_469 : i32 to index
    %swap3A_471 = arith.constant 96 : index
    %swap3A_472 = tpu.vector_load %arg9[%swap3A_470, %swap3A_471] {strides = array<i32>} : memref<16x128xf32, #tpu.memory_space<vmem>>, vector<1x16xf32>,
    %swap3A_473 = vector.shape_cast %swap3A_472 : vector<1x16xf32> to vector<16xf32>
    %swap3A_474 = vector.shape_cast %broadcast_in_dim3A_1 : vector<16xf32> to vector<1x16xf32>
    tpu.vector_store %arg9[%swap3A_470, %swap3A_471], %swap3A_474 {strides = array<i32>} : memref<16x128xf32, #tpu.memory_space<vmem>>, vector<1x16xf32>,
    %swap3A_475 = arith.constant 9 : i32
    %swap3A_476 = arith.index_cast %swap3A_475 : i32 to index
    %swap3A_477 = arith.constant 112 : index
    %swap3A_478 = tpu.vector_load %arg9[%swap3A_476, %swap3A_477] {strides = array<i32>} : memref<16x128xf32, #tpu.memory_space<vmem>>, vector<1x16xf32>,
    %swap3A_479 = vector.shape_cast %swap3A_478 : vector<1x16xf32> to vector<16xf32>
    %swap3A_480 = vector.shape_cast %broadcast_in_dim3A_1 : vector<16xf32> to vector<1x16xf32>
    tpu.vector_store %arg9[%swap3A_476, %swap3A_477], %swap3A_480 {strides = array<i32>} : memref<16x128xf32, #tpu.memory_space<vmem>>, vector<1x16xf32>,
    %swap3A_481 = arith.constant 10 : i32
    %swap3A_482 = arith.index_cast %swap3A_481 : i32 to index
    %swap3A_483 = arith.constant 0 : index
    %swap3A_484 = tpu.vector_load %arg9[%swap3A_482, %swap3A_483] {strides = array<i32>} : memref<16x128xf32, #tpu.memory_space<vmem>>, vector<1x16xf32>,
    %swap3A_485 = vector.shape_cast %swap3A_484 : vector<1x16xf32> to vector<16xf32>
    %swap3A_486 = vector.shape_cast %broadcast_in_dim3A_1 : vector<16xf32> to vector<1x16xf32>
    tpu.vector_store %arg9[%swap3A_482, %swap3A_483], %swap3A_486 {strides = array<i32>} : memref<16x128xf32, #tpu.memory_space<vmem>>, vector<1x16xf32>,
    %swap3A_487 = arith.constant 10 : i32
    %swap3A_488 = arith.index_cast %swap3A_487 : i32 to index
    %swap3A_489 = arith.constant 16 : index
    %swap3A_490 = tpu.vector_load %arg9[%swap3A_488, %swap3A_489] {strides = array<i32>} : memref<16x128xf32, #tpu.memory_space<vmem>>, vector<1x16xf32>,
    %swap3A_491 = vector.shape_cast %swap3A_490 : vector<1x16xf32> to vector<16xf32>
    %swap3A_492 = vector.shape_cast %broadcast_in_dim3A_1 : vector<16xf32> to vector<1x16xf32>
    tpu.vector_store %arg9[%swap3A_488, %swap3A_489], %swap3A_492 {strides = array<i32>} : memref<16x128xf32, #tpu.memory_space<vmem>>, vector<1x16xf32>,
    %swap3A_493 = arith.constant 10 : i32
    %swap3A_494 = arith.index_cast %swap3A_493 : i32 to index
    %swap3A_495 = arith.constant 32 : index
    %swap3A_496 = tpu.vector_load %arg9[%swap3A_494, %swap3A_495] {strides = array<i32>} : memref<16x128xf32, #tpu.memory_space<vmem>>, vector<1x16xf32>,
    %swap3A_497 = vector.shape_cast %swap3A_496 : vector<1x16xf32> to vector<16xf32>
    %swap3A_498 = vector.shape_cast %broadcast_in_dim3A_1 : vector<16xf32> to vector<1x16xf32>
    tpu.vector_store %arg9[%swap3A_494, %swap3A_495], %swap3A_498 {strides = array<i32>} : memref<16x128xf32, #tpu.memory_space<vmem>>, vector<1x16xf32>,
    %swap3A_499 = arith.constant 10 : i32
    %swap3A_500 = arith.index_cast %swap3A_499 : i32 to index
    %swap3A_501 = arith.constant 48 : index
    %swap3A_502 = tpu.vector_load %arg9[%swap3A_500, %swap3A_501] {strides = array<i32>} : memref<16x128xf32, #tpu.memory_space<vmem>>, vector<1x16xf32>,
    %swap3A_503 = vector.shape_cast %swap3A_502 : vector<1x16xf32> to vector<16xf32>
    %swap3A_504 = vector.shape_cast %broadcast_in_dim3A_1 : vector<16xf32> to vector<1x16xf32>
    tpu.vector_store %arg9[%swap3A_500, %swap3A_501], %swap3A_504 {strides = array<i32>} : memref<16x128xf32, #tpu.memory_space<vmem>>, vector<1x16xf32>,
    %swap3A_505 = arith.constant 10 : i32
    %swap3A_506 = arith.index_cast %swap3A_505 : i32 to index
    %swap3A_507 = arith.constant 64 : index
    %swap3A_508 = tpu.vector_load %arg9[%swap3A_506, %swap3A_507] {strides = array<i32>} : memref<16x128xf32, #tpu.memory_space<vmem>>, vector<1x16xf32>,
    %swap3A_509 = vector.shape_cast %swap3A_508 : vector<1x16xf32> to vector<16xf32>
    %swap3A_510 = vector.shape_cast %broadcast_in_dim3A_1 : vector<16xf32> to vector<1x16xf32>
    tpu.vector_store %arg9[%swap3A_506, %swap3A_507], %swap3A_510 {strides = array<i32>} : memref<16x128xf32, #tpu.memory_space<vmem>>, vector<1x16xf32>,
    %swap3A_511 = arith.constant 10 : i32
    %swap3A_512 = arith.index_cast %swap3A_511 : i32 to index
    %swap3A_513 = arith.constant 80 : index
    %swap3A_514 = tpu.vector_load %arg9[%swap3A_512, %swap3A_513] {strides = array<i32>} : memref<16x128xf32, #tpu.memory_space<vmem>>, vector<1x16xf32>,
    %swap3A_515 = vector.shape_cast %swap3A_514 : vector<1x16xf32> to vector<16xf32>
    %swap3A_516 = vector.shape_cast %broadcast_in_dim3A_1 : vector<16xf32> to vector<1x16xf32>
    tpu.vector_store %arg9[%swap3A_512, %swap3A_513], %swap3A_516 {strides = array<i32>} : memref<16x128xf32, #tpu.memory_space<vmem>>, vector<1x16xf32>,
    %swap3A_517 = arith.constant 10 : i32
    %swap3A_518 = arith.index_cast %swap3A_517 : i32 to index
    %swap3A_519 = arith.constant 96 : index
    %swap3A_520 = tpu.vector_load %arg9[%swap3A_518, %swap3A_519] {strides = array<i32>} : memref<16x128xf32, #tpu.memory_space<vmem>>, vector<1x16xf32>,
    %swap3A_521 = vector.shape_cast %swap3A_520 : vector<1x16xf32> to vector<16xf32>
    %swap3A_522 = vector.shape_cast %broadcast_in_dim3A_1 : vector<16xf32> to vector<1x16xf32>
    tpu.vector_store %arg9[%swap3A_518, %swap3A_519], %swap3A_522 {strides = array<i32>} : memref<16x128xf32, #tpu.memory_space<vmem>>, vector<1x16xf32>,
    %swap3A_523 = arith.constant 10 : i32
    %swap3A_524 = arith.index_cast %swap3A_523 : i32 to index
    %swap3A_525 = arith.constant 112 : index
    %swap3A_526 = tpu.vector_load %arg9[%swap3A_524, %swap3A_525] {strides = array<i32>} : memref<16x128xf32, #tpu.memory_space<vmem>>, vector<1x16xf32>,
    %swap3A_527 = vector.shape_cast %swap3A_526 : vector<1x16xf32> to vector<16xf32>
    %swap3A_528 = vector.shape_cast %broadcast_in_dim3A_1 : vector<16xf32> to vector<1x16xf32>
    tpu.vector_store %arg9[%swap3A_524, %swap3A_525], %swap3A_528 {strides = array<i32>} : memref<16x128xf32, #tpu.memory_space<vmem>>, vector<1x16xf32>,
    %swap3A_529 = arith.constant 11 : i32
    %swap3A_530 = arith.index_cast %swap3A_529 : i32 to index
    %swap3A_531 = arith.constant 0 : index
    %swap3A_532 = tpu.vector_load %arg9[%swap3A_530, %swap3A_531] {strides = array<i32>} : memref<16x128xf32, #tpu.memory_space<vmem>>, vector<1x16xf32>,
    %swap3A_533 = vector.shape_cast %swap3A_532 : vector<1x16xf32> to vector<16xf32>
    %swap3A_534 = vector.shape_cast %broadcast_in_dim3A_1 : vector<16xf32> to vector<1x16xf32>
    tpu.vector_store %arg9[%swap3A_530, %swap3A_531], %swap3A_534 {strides = array<i32>} : memref<16x128xf32, #tpu.memory_space<vmem>>, vector<1x16xf32>,
    %swap3A_535 = arith.constant 11 : i32
    %swap3A_536 = arith.index_cast %swap3A_535 : i32 to index
    %swap3A_537 = arith.constant 16 : index
    %swap3A_538 = tpu.vector_load %arg9[%swap3A_536, %swap3A_537] {strides = array<i32>} : memref<16x128xf32, #tpu.memory_space<vmem>>, vector<1x16xf32>,
    %swap3A_539 = vector.shape_cast %swap3A_538 : vector<1x16xf32> to vector<16xf32>
    %swap3A_540 = vector.shape_cast %broadcast_in_dim3A_1 : vector<16xf32> to vector<1x16xf32>
    tpu.vector_store %arg9[%swap3A_536, %swap3A_537], %swap3A_540 {strides = array<i32>} : memref<16x128xf32, #tpu.memory_space<vmem>>, vector<1x16xf32>,
    %swap3A_541 = arith.constant 11 : i32
    %swap3A_542 = arith.index_cast %swap3A_541 : i32 to index
    %swap3A_543 = arith.constant 32 : index
    %swap3A_544 = tpu.vector_load %arg9[%swap3A_542, %swap3A_543] {strides = array<i32>} : memref<16x128xf32, #tpu.memory_space<vmem>>, vector<1x16xf32>,
    %swap3A_545 = vector.shape_cast %swap3A_544 : vector<1x16xf32> to vector<16xf32>
    %swap3A_546 = vector.shape_cast %broadcast_in_dim3A_1 : vector<16xf32> to vector<1x16xf32>
    tpu.vector_store %arg9[%swap3A_542, %swap3A_543], %swap3A_546 {strides = array<i32>} : memref<16x128xf32, #tpu.memory_space<vmem>>, vector<1x16xf32>,
    %swap3A_547 = arith.constant 11 : i32
    %swap3A_548 = arith.index_cast %swap3A_547 : i32 to index
    %swap3A_549 = arith.constant 48 : index
    %swap3A_550 = tpu.vector_load %arg9[%swap3A_548, %swap3A_549] {strides = array<i32>} : memref<16x128xf32, #tpu.memory_space<vmem>>, vector<1x16xf32>,
    %swap3A_551 = vector.shape_cast %swap3A_550 : vector<1x16xf32> to vector<16xf32>
    %swap3A_552 = vector.shape_cast %broadcast_in_dim3A_1 : vector<16xf32> to vector<1x16xf32>
    tpu.vector_store %arg9[%swap3A_548, %swap3A_549], %swap3A_552 {strides = array<i32>} : memref<16x128xf32, #tpu.memory_space<vmem>>, vector<1x16xf32>,
    %swap3A_553 = arith.constant 11 : i32
    %swap3A_554 = arith.index_cast %swap3A_553 : i32 to index
    %swap3A_555 = arith.constant 64 : index
    %swap3A_556 = tpu.vector_load %arg9[%swap3A_554, %swap3A_555] {strides = array<i32>} : memref<16x128xf32, #tpu.memory_space<vmem>>, vector<1x16xf32>,
    %swap3A_557 = vector.shape_cast %swap3A_556 : vector<1x16xf32> to vector<16xf32>
    %swap3A_558 = vector.shape_cast %broadcast_in_dim3A_1 : vector<16xf32> to vector<1x16xf32>
    tpu.vector_store %arg9[%swap3A_554, %swap3A_555], %swap3A_558 {strides = array<i32>} : memref<16x128xf32, #tpu.memory_space<vmem>>, vector<1x16xf32>,
    %swap3A_559 = arith.constant 11 : i32
    %swap3A_560 = arith.index_cast %swap3A_559 : i32 to index
    %swap3A_561 = arith.constant 80 : index
    %swap3A_562 = tpu.vector_load %arg9[%swap3A_560, %swap3A_561] {strides = array<i32>} : memref<16x128xf32, #tpu.memory_space<vmem>>, vector<1x16xf32>,
    %swap3A_563 = vector.shape_cast %swap3A_562 : vector<1x16xf32> to vector<16xf32>
    %swap3A_564 = vector.shape_cast %broadcast_in_dim3A_1 : vector<16xf32> to vector<1x16xf32>
    tpu.vector_store %arg9[%swap3A_560, %swap3A_561], %swap3A_564 {strides = array<i32>} : memref<16x128xf32, #tpu.memory_space<vmem>>, vector<1x16xf32>,
    %swap3A_565 = arith.constant 11 : i32
    %swap3A_566 = arith.index_cast %swap3A_565 : i32 to index
    %swap3A_567 = arith.constant 96 : index
    %swap3A_568 = tpu.vector_load %arg9[%swap3A_566, %swap3A_567] {strides = array<i32>} : memref<16x128xf32, #tpu.memory_space<vmem>>, vector<1x16xf32>,
    %swap3A_569 = vector.shape_cast %swap3A_568 : vector<1x16xf32> to vector<16xf32>
    %swap3A_570 = vector.shape_cast %broadcast_in_dim3A_1 : vector<16xf32> to vector<1x16xf32>
    tpu.vector_store %arg9[%swap3A_566, %swap3A_567], %swap3A_570 {strides = array<i32>} : memref<16x128xf32, #tpu.memory_space<vmem>>, vector<1x16xf32>,
    %swap3A_571 = arith.constant 11 : i32
    %swap3A_572 = arith.index_cast %swap3A_571 : i32 to index
    %swap3A_573 = arith.constant 112 : index
    %swap3A_574 = tpu.vector_load %arg9[%swap3A_572, %swap3A_573] {strides = array<i32>} : memref<16x128xf32, #tpu.memory_space<vmem>>, vector<1x16xf32>,
    %swap3A_575 = vector.shape_cast %swap3A_574 : vector<1x16xf32> to vector<16xf32>
    %swap3A_576 = vector.shape_cast %broadcast_in_dim3A_1 : vector<16xf32> to vector<1x16xf32>
    tpu.vector_store %arg9[%swap3A_572, %swap3A_573], %swap3A_576 {strides = array<i32>} : memref<16x128xf32, #tpu.memory_space<vmem>>, vector<1x16xf32>,
    %swap3A_577 = arith.constant 12 : i32
    %swap3A_578 = arith.index_cast %swap3A_577 : i32 to index
    %swap3A_579 = arith.constant 0 : index
    %swap3A_580 = tpu.vector_load %arg9[%swap3A_578, %swap3A_579] {strides = array<i32>} : memref<16x128xf32, #tpu.memory_space<vmem>>, vector<1x16xf32>,
    %swap3A_581 = vector.shape_cast %swap3A_580 : vector<1x16xf32> to vector<16xf32>
    %swap3A_582 = vector.shape_cast %broadcast_in_dim3A_1 : vector<16xf32> to vector<1x16xf32>
    tpu.vector_store %arg9[%swap3A_578, %swap3A_579], %swap3A_582 {strides = array<i32>} : memref<16x128xf32, #tpu.memory_space<vmem>>, vector<1x16xf32>,
    %swap3A_583 = arith.constant 12 : i32
    %swap3A_584 = arith.index_cast %swap3A_583 : i32 to index
    %swap3A_585 = arith.constant 16 : index
    %swap3A_586 = tpu.vector_load %arg9[%swap3A_584, %swap3A_585] {strides = array<i32>} : memref<16x128xf32, #tpu.memory_space<vmem>>, vector<1x16xf32>,
    %swap3A_587 = vector.shape_cast %swap3A_586 : vector<1x16xf32> to vector<16xf32>
    %swap3A_588 = vector.shape_cast %broadcast_in_dim3A_1 : vector<16xf32> to vector<1x16xf32>
    tpu.vector_store %arg9[%swap3A_584, %swap3A_585], %swap3A_588 {strides = array<i32>} : memref<16x128xf32, #tpu.memory_space<vmem>>, vector<1x16xf32>,
    %swap3A_589 = arith.constant 12 : i32
    %swap3A_590 = arith.index_cast %swap3A_589 : i32 to index
    %swap3A_591 = arith.constant 32 : index
    %swap3A_592 = tpu.vector_load %arg9[%swap3A_590, %swap3A_591] {strides = array<i32>} : memref<16x128xf32, #tpu.memory_space<vmem>>, vector<1x16xf32>,
    %swap3A_593 = vector.shape_cast %swap3A_592 : vector<1x16xf32> to vector<16xf32>
    %swap3A_594 = vector.shape_cast %broadcast_in_dim3A_1 : vector<16xf32> to vector<1x16xf32>
    tpu.vector_store %arg9[%swap3A_590, %swap3A_591], %swap3A_594 {strides = array<i32>} : memref<16x128xf32, #tpu.memory_space<vmem>>, vector<1x16xf32>,
    %swap3A_595 = arith.constant 12 : i32
    %swap3A_596 = arith.index_cast %swap3A_595 : i32 to index
    %swap3A_597 = arith.constant 48 : index
    %swap3A_598 = tpu.vector_load %arg9[%swap3A_596, %swap3A_597] {strides = array<i32>} : memref<16x128xf32, #tpu.memory_space<vmem>>, vector<1x16xf32>,
    %swap3A_599 = vector.shape_cast %swap3A_598 : vector<1x16xf32> to vector<16xf32>
    %swap3A_600 = vector.shape_cast %broadcast_in_dim3A_1 : vector<16xf32> to vector<1x16xf32>
    tpu.vector_store %arg9[%swap3A_596, %swap3A_597], %swap3A_600 {strides = array<i32>} : memref<16x128xf32, #tpu.memory_space<vmem>>, vector<1x16xf32>,
    %swap3A_601 = arith.constant 12 : i32
    %swap3A_602 = arith.index_cast %swap3A_601 : i32 to index
    %swap3A_603 = arith.constant 64 : index
    %swap3A_604 = tpu.vector_load %arg9[%swap3A_602, %swap3A_603] {strides = array<i32>} : memref<16x128xf32, #tpu.memory_space<vmem>>, vector<1x16xf32>,
    %swap3A_605 = vector.shape_cast %swap3A_604 : vector<1x16xf32> to vector<16xf32>
    %swap3A_606 = vector.shape_cast %broadcast_in_dim3A_1 : vector<16xf32> to vector<1x16xf32>
    tpu.vector_store %arg9[%swap3A_602, %swap3A_603], %swap3A_606 {strides = array<i32>} : memref<16x128xf32, #tpu.memory_space<vmem>>, vector<1x16xf32>,
    %swap3A_607 = arith.constant 12 : i32
    %swap3A_608 = arith.index_cast %swap3A_607 : i32 to index
    %swap3A_609 = arith.constant 80 : index
    %swap3A_610 = tpu.vector_load %arg9[%swap3A_608, %swap3A_609] {strides = array<i32>} : memref<16x128xf32, #tpu.memory_space<vmem>>, vector<1x16xf32>,
    %swap3A_611 = vector.shape_cast %swap3A_610 : vector<1x16xf32> to vector<16xf32>
    %swap3A_612 = vector.shape_cast %broadcast_in_dim3A_1 : vector<16xf32> to vector<1x16xf32>
    tpu.vector_store %arg9[%swap3A_608, %swap3A_609], %swap3A_612 {strides = array<i32>} : memref<16x128xf32, #tpu.memory_space<vmem>>, vector<1x16xf32>,
    %swap3A_613 = arith.constant 12 : i32
    %swap3A_614 = arith.index_cast %swap3A_613 : i32 to index
    %swap3A_615 = arith.constant 96 : index
    %swap3A_616 = tpu.vector_load %arg9[%swap3A_614, %swap3A_615] {strides = array<i32>} : memref<16x128xf32, #tpu.memory_space<vmem>>, vector<1x16xf32>,
    %swap3A_617 = vector.shape_cast %swap3A_616 : vector<1x16xf32> to vector<16xf32>
    %swap3A_618 = vector.shape_cast %broadcast_in_dim3A_1 : vector<16xf32> to vector<1x16xf32>
    tpu.vector_store %arg9[%swap3A_614, %swap3A_615], %swap3A_618 {strides = array<i32>} : memref<16x128xf32, #tpu.memory_space<vmem>>, vector<1x16xf32>,
    %swap3A_619 = arith.constant 12 : i32
    %swap3A_620 = arith.index_cast %swap3A_619 : i32 to index
    %swap3A_621 = arith.constant 112 : index
    %swap3A_622 = tpu.vector_load %arg9[%swap3A_620, %swap3A_621] {strides = array<i32>} : memref<16x128xf32, #tpu.memory_space<vmem>>, vector<1x16xf32>,
    %swap3A_623 = vector.shape_cast %swap3A_622 : vector<1x16xf32> to vector<16xf32>
    %swap3A_624 = vector.shape_cast %broadcast_in_dim3A_1 : vector<16xf32> to vector<1x16xf32>
    tpu.vector_store %arg9[%swap3A_620, %swap3A_621], %swap3A_624 {strides = array<i32>} : memref<16x128xf32, #tpu.memory_space<vmem>>, vector<1x16xf32>,
    %swap3A_625 = arith.constant 13 : i32
    %swap3A_626 = arith.index_cast %swap3A_625 : i32 to index
    %swap3A_627 = arith.constant 0 : index
    %swap3A_628 = tpu.vector_load %arg9[%swap3A_626, %swap3A_627] {strides = array<i32>} : memref<16x128xf32, #tpu.memory_space<vmem>>, vector<1x16xf32>,
    %swap3A_629 = vector.shape_cast %swap3A_628 : vector<1x16xf32> to vector<16xf32>
    %swap3A_630 = vector.shape_cast %broadcast_in_dim3A_1 : vector<16xf32> to vector<1x16xf32>
    tpu.vector_store %arg9[%swap3A_626, %swap3A_627], %swap3A_630 {strides = array<i32>} : memref<16x128xf32, #tpu.memory_space<vmem>>, vector<1x16xf32>,
    %swap3A_631 = arith.constant 13 : i32
    %swap3A_632 = arith.index_cast %swap3A_631 : i32 to index
    %swap3A_633 = arith.constant 16 : index
    %swap3A_634 = tpu.vector_load %arg9[%swap3A_632, %swap3A_633] {strides = array<i32>} : memref<16x128xf32, #tpu.memory_space<vmem>>, vector<1x16xf32>,
    %swap3A_635 = vector.shape_cast %swap3A_634 : vector<1x16xf32> to vector<16xf32>
    %swap3A_636 = vector.shape_cast %broadcast_in_dim3A_1 : vector<16xf32> to vector<1x16xf32>
    tpu.vector_store %arg9[%swap3A_632, %swap3A_633], %swap3A_636 {strides = array<i32>} : memref<16x128xf32, #tpu.memory_space<vmem>>, vector<1x16xf32>,
    %swap3A_637 = arith.constant 13 : i32
    %swap3A_638 = arith.index_cast %swap3A_637 : i32 to index
    %swap3A_639 = arith.constant 32 : index
    %swap3A_640 = tpu.vector_load %arg9[%swap3A_638, %swap3A_639] {strides = array<i32>} : memref<16x128xf32, #tpu.memory_space<vmem>>, vector<1x16xf32>,
    %swap3A_641 = vector.shape_cast %swap3A_640 : vector<1x16xf32> to vector<16xf32>
    %swap3A_642 = vector.shape_cast %broadcast_in_dim3A_1 : vector<16xf32> to vector<1x16xf32>
    tpu.vector_store %arg9[%swap3A_638, %swap3A_639], %swap3A_642 {strides = array<i32>} : memref<16x128xf32, #tpu.memory_space<vmem>>, vector<1x16xf32>,
    %swap3A_643 = arith.constant 13 : i32
    %swap3A_644 = arith.index_cast %swap3A_643 : i32 to index
    %swap3A_645 = arith.constant 48 : index
    %swap3A_646 = tpu.vector_load %arg9[%swap3A_644, %swap3A_645] {strides = array<i32>} : memref<16x128xf32, #tpu.memory_space<vmem>>, vector<1x16xf32>,
    %swap3A_647 = vector.shape_cast %swap3A_646 : vector<1x16xf32> to vector<16xf32>
    %swap3A_648 = vector.shape_cast %broadcast_in_dim3A_1 : vector<16xf32> to vector<1x16xf32>
    tpu.vector_store %arg9[%swap3A_644, %swap3A_645], %swap3A_648 {strides = array<i32>} : memref<16x128xf32, #tpu.memory_space<vmem>>, vector<1x16xf32>,
    %swap3A_649 = arith.constant 13 : i32
    %swap3A_650 = arith.index_cast %swap3A_649 : i32 to index
    %swap3A_651 = arith.constant 64 : index
    %swap3A_652 = tpu.vector_load %arg9[%swap3A_650, %swap3A_651] {strides = array<i32>} : memref<16x128xf32, #tpu.memory_space<vmem>>, vector<1x16xf32>,
    %swap3A_653 = vector.shape_cast %swap3A_652 : vector<1x16xf32> to vector<16xf32>
    %swap3A_654 = vector.shape_cast %broadcast_in_dim3A_1 : vector<16xf32> to vector<1x16xf32>
    tpu.vector_store %arg9[%swap3A_650, %swap3A_651], %swap3A_654 {strides = array<i32>} : memref<16x128xf32, #tpu.memory_space<vmem>>, vector<1x16xf32>,
    %swap3A_655 = arith.constant 13 : i32
    %swap3A_656 = arith.index_cast %swap3A_655 : i32 to index
    %swap3A_657 = arith.constant 80 : index
    %swap3A_658 = tpu.vector_load %arg9[%swap3A_656, %swap3A_657] {strides = array<i32>} : memref<16x128xf32, #tpu.memory_space<vmem>>, vector<1x16xf32>,
    %swap3A_659 = vector.shape_cast %swap3A_658 : vector<1x16xf32> to vector<16xf32>
    %swap3A_660 = vector.shape_cast %broadcast_in_dim3A_1 : vector<16xf32> to vector<1x16xf32>
    tpu.vector_store %arg9[%swap3A_656, %swap3A_657], %swap3A_660 {strides = array<i32>} : memref<16x128xf32, #tpu.memory_space<vmem>>, vector<1x16xf32>,
    %swap3A_661 = arith.constant 13 : i32
    %swap3A_662 = arith.index_cast %swap3A_661 : i32 to index
    %swap3A_663 = arith.constant 96 : index
    %swap3A_664 = tpu.vector_load %arg9[%swap3A_662, %swap3A_663] {strides = array<i32>} : memref<16x128xf32, #tpu.memory_space<vmem>>, vector<1x16xf32>,
    %swap3A_665 = vector.shape_cast %swap3A_664 : vector<1x16xf32> to vector<16xf32>
    %swap3A_666 = vector.shape_cast %broadcast_in_dim3A_1 : vector<16xf32> to vector<1x16xf32>
    tpu.vector_store %arg9[%swap3A_662, %swap3A_663], %swap3A_666 {strides = array<i32>} : memref<16x128xf32, #tpu.memory_space<vmem>>, vector<1x16xf32>,
    %swap3A_667 = arith.constant 13 : i32
    %swap3A_668 = arith.index_cast %swap3A_667 : i32 to index
    %swap3A_669 = arith.constant 112 : index
    %swap3A_670 = tpu.vector_load %arg9[%swap3A_668, %swap3A_669] {strides = array<i32>} : memref<16x128xf32, #tpu.memory_space<vmem>>, vector<1x16xf32>,
    %swap3A_671 = vector.shape_cast %swap3A_670 : vector<1x16xf32> to vector<16xf32>
    %swap3A_672 = vector.shape_cast %broadcast_in_dim3A_1 : vector<16xf32> to vector<1x16xf32>
    tpu.vector_store %arg9[%swap3A_668, %swap3A_669], %swap3A_672 {strides = array<i32>} : memref<16x128xf32, #tpu.memory_space<vmem>>, vector<1x16xf32>,
    %swap3A_673 = arith.constant 14 : i32
    %swap3A_674 = arith.index_cast %swap3A_673 : i32 to index
    %swap3A_675 = arith.constant 0 : index
    %swap3A_676 = tpu.vector_load %arg9[%swap3A_674, %swap3A_675] {strides = array<i32>} : memref<16x128xf32, #tpu.memory_space<vmem>>, vector<1x16xf32>,
    %swap3A_677 = vector.shape_cast %swap3A_676 : vector<1x16xf32> to vector<16xf32>
    %swap3A_678 = vector.shape_cast %broadcast_in_dim3A_1 : vector<16xf32> to vector<1x16xf32>
    tpu.vector_store %arg9[%swap3A_674, %swap3A_675], %swap3A_678 {strides = array<i32>} : memref<16x128xf32, #tpu.memory_space<vmem>>, vector<1x16xf32>,
    %swap3A_679 = arith.constant 14 : i32
    %swap3A_680 = arith.index_cast %swap3A_679 : i32 to index
    %swap3A_681 = arith.constant 16 : index
    %swap3A_682 = tpu.vector_load %arg9[%swap3A_680, %swap3A_681] {strides = array<i32>} : memref<16x128xf32, #tpu.memory_space<vmem>>, vector<1x16xf32>,
    %swap3A_683 = vector.shape_cast %swap3A_682 : vector<1x16xf32> to vector<16xf32>
    %swap3A_684 = vector.shape_cast %broadcast_in_dim3A_1 : vector<16xf32> to vector<1x16xf32>
    tpu.vector_store %arg9[%swap3A_680, %swap3A_681], %swap3A_684 {strides = array<i32>} : memref<16x128xf32, #tpu.memory_space<vmem>>, vector<1x16xf32>,
    %swap3A_685 = arith.constant 14 : i32
    %swap3A_686 = arith.index_cast %swap3A_685 : i32 to index
    %swap3A_687 = arith.constant 32 : index
    %swap3A_688 = tpu.vector_load %arg9[%swap3A_686, %swap3A_687] {strides = array<i32>} : memref<16x128xf32, #tpu.memory_space<vmem>>, vector<1x16xf32>,
    %swap3A_689 = vector.shape_cast %swap3A_688 : vector<1x16xf32> to vector<16xf32>
    %swap3A_690 = vector.shape_cast %broadcast_in_dim3A_1 : vector<16xf32> to vector<1x16xf32>
    tpu.vector_store %arg9[%swap3A_686, %swap3A_687], %swap3A_690 {strides = array<i32>} : memref<16x128xf32, #tpu.memory_space<vmem>>, vector<1x16xf32>,
    %swap3A_691 = arith.constant 14 : i32
    %swap3A_692 = arith.index_cast %swap3A_691 : i32 to index
    %swap3A_693 = arith.constant 48 : index
    %swap3A_694 = tpu.vector_load %arg9[%swap3A_692, %swap3A_693] {strides = array<i32>} : memref<16x128xf32, #tpu.memory_space<vmem>>, vector<1x16xf32>,
    %swap3A_695 = vector.shape_cast %swap3A_694 : vector<1x16xf32> to vector<16xf32>
    %swap3A_696 = vector.shape_cast %broadcast_in_dim3A_1 : vector<16xf32> to vector<1x16xf32>
    tpu.vector_store %arg9[%swap3A_692, %swap3A_693], %swap3A_696 {strides = array<i32>} : memref<16x128xf32, #tpu.memory_space<vmem>>, vector<1x16xf32>,
    %swap3A_697 = arith.constant 14 : i32
    %swap3A_698 = arith.index_cast %swap3A_697 : i32 to index
    %swap3A_699 = arith.constant 64 : index
    %swap3A_700 = tpu.vector_load %arg9[%swap3A_698, %swap3A_699] {strides = array<i32>} : memref<16x128xf32, #tpu.memory_space<vmem>>, vector<1x16xf32>,
    %swap3A_701 = vector.shape_cast %swap3A_700 : vector<1x16xf32> to vector<16xf32>
    %swap3A_702 = vector.shape_cast %broadcast_in_dim3A_1 : vector<16xf32> to vector<1x16xf32>
    tpu.vector_store %arg9[%swap3A_698, %swap3A_699], %swap3A_702 {strides = array<i32>} : memref<16x128xf32, #tpu.memory_space<vmem>>, vector<1x16xf32>,
    %swap3A_703 = arith.constant 14 : i32
    %swap3A_704 = arith.index_cast %swap3A_703 : i32 to index
    %swap3A_705 = arith.constant 80 : index
    %swap3A_706 = tpu.vector_load %arg9[%swap3A_704, %swap3A_705] {strides = array<i32>} : memref<16x128xf32, #tpu.memory_space<vmem>>, vector<1x16xf32>,
    %swap3A_707 = vector.shape_cast %swap3A_706 : vector<1x16xf32> to vector<16xf32>
    %swap3A_708 = vector.shape_cast %broadcast_in_dim3A_1 : vector<16xf32> to vector<1x16xf32>
    tpu.vector_store %arg9[%swap3A_704, %swap3A_705], %swap3A_708 {strides = array<i32>} : memref<16x128xf32, #tpu.memory_space<vmem>>, vector<1x16xf32>,
    %swap3A_709 = arith.constant 14 : i32
    %swap3A_710 = arith.index_cast %swap3A_709 : i32 to index
    %swap3A_711 = arith.constant 96 : index
    %swap3A_712 = tpu.vector_load %arg9[%swap3A_710, %swap3A_711] {strides = array<i32>} : memref<16x128xf32, #tpu.memory_space<vmem>>, vector<1x16xf32>,
    %swap3A_713 = vector.shape_cast %swap3A_712 : vector<1x16xf32> to vector<16xf32>
    %swap3A_714 = vector.shape_cast %broadcast_in_dim3A_1 : vector<16xf32> to vector<1x16xf32>
    tpu.vector_store %arg9[%swap3A_710, %swap3A_711], %swap3A_714 {strides = array<i32>} : memref<16x128xf32, #tpu.memory_space<vmem>>, vector<1x16xf32>,
    %swap3A_715 = arith.constant 14 : i32
    %swap3A_716 = arith.index_cast %swap3A_715 : i32 to index
    %swap3A_717 = arith.constant 112 : index
    %swap3A_718 = tpu.vector_load %arg9[%swap3A_716, %swap3A_717] {strides = array<i32>} : memref<16x128xf32, #tpu.memory_space<vmem>>, vector<1x16xf32>,
    %swap3A_719 = vector.shape_cast %swap3A_718 : vector<1x16xf32> to vector<16xf32>
    %swap3A_720 = vector.shape_cast %broadcast_in_dim3A_1 : vector<16xf32> to vector<1x16xf32>
    tpu.vector_store %arg9[%swap3A_716, %swap3A_717], %swap3A_720 {strides = array<i32>} : memref<16x128xf32, #tpu.memory_space<vmem>>, vector<1x16xf32>,
    %swap3A_721 = arith.constant 15 : i32
    %swap3A_722 = arith.index_cast %swap3A_721 : i32 to index
    %swap3A_723 = arith.constant 0 : index
    %swap3A_724 = tpu.vector_load %arg9[%swap3A_722, %swap3A_723] {strides = array<i32>} : memref<16x128xf32, #tpu.memory_space<vmem>>, vector<1x16xf32>,
    %swap3A_725 = vector.shape_cast %swap3A_724 : vector<1x16xf32> to vector<16xf32>
    %swap3A_726 = vector.shape_cast %broadcast_in_dim3A_1 : vector<16xf32> to vector<1x16xf32>
    tpu.vector_store %arg9[%swap3A_722, %swap3A_723], %swap3A_726 {strides = array<i32>} : memref<16x128xf32, #tpu.memory_space<vmem>>, vector<1x16xf32>,
    %swap3A_727 = arith.constant 15 : i32
    %swap3A_728 = arith.index_cast %swap3A_727 : i32 to index
    %swap3A_729 = arith.constant 16 : index
    %swap3A_730 = tpu.vector_load %arg9[%swap3A_728, %swap3A_729] {strides = array<i32>} : memref<16x128xf32, #tpu.memory_space<vmem>>, vector<1x16xf32>,
    %swap3A_731 = vector.shape_cast %swap3A_730 : vector<1x16xf32> to vector<16xf32>
    %swap3A_732 = vector.shape_cast %broadcast_in_dim3A_1 : vector<16xf32> to vector<1x16xf32>
    tpu.vector_store %arg9[%swap3A_728, %swap3A_729], %swap3A_732 {strides = array<i32>} : memref<16x128xf32, #tpu.memory_space<vmem>>, vector<1x16xf32>,
    %swap3A_733 = arith.constant 15 : i32
    %swap3A_734 = arith.index_cast %swap3A_733 : i32 to index
    %swap3A_735 = arith.constant 32 : index
    %swap3A_736 = tpu.vector_load %arg9[%swap3A_734, %swap3A_735] {strides = array<i32>} : memref<16x128xf32, #tpu.memory_space<vmem>>, vector<1x16xf32>,
    %swap3A_737 = vector.shape_cast %swap3A_736 : vector<1x16xf32> to vector<16xf32>
    %swap3A_738 = vector.shape_cast %broadcast_in_dim3A_1 : vector<16xf32> to vector<1x16xf32>
    tpu.vector_store %arg9[%swap3A_734, %swap3A_735], %swap3A_738 {strides = array<i32>} : memref<16x128xf32, #tpu.memory_space<vmem>>, vector<1x16xf32>,
    %swap3A_739 = arith.constant 15 : i32
    %swap3A_740 = arith.index_cast %swap3A_739 : i32 to index
    %swap3A_741 = arith.constant 48 : index
    %swap3A_742 = tpu.vector_load %arg9[%swap3A_740, %swap3A_741] {strides = array<i32>} : memref<16x128xf32, #tpu.memory_space<vmem>>, vector<1x16xf32>,
    %swap3A_743 = vector.shape_cast %swap3A_742 : vector<1x16xf32> to vector<16xf32>
    %swap3A_744 = vector.shape_cast %broadcast_in_dim3A_1 : vector<16xf32> to vector<1x16xf32>
    tpu.vector_store %arg9[%swap3A_740, %swap3A_741], %swap3A_744 {strides = array<i32>} : memref<16x128xf32, #tpu.memory_space<vmem>>, vector<1x16xf32>,
    %swap3A_745 = arith.constant 15 : i32
    %swap3A_746 = arith.index_cast %swap3A_745 : i32 to index
    %swap3A_747 = arith.constant 64 : index
    %swap3A_748 = tpu.vector_load %arg9[%swap3A_746, %swap3A_747] {strides = array<i32>} : memref<16x128xf32, #tpu.memory_space<vmem>>, vector<1x16xf32>,
    %swap3A_749 = vector.shape_cast %swap3A_748 : vector<1x16xf32> to vector<16xf32>
    %swap3A_750 = vector.shape_cast %broadcast_in_dim3A_1 : vector<16xf32> to vector<1x16xf32>
    tpu.vector_store %arg9[%swap3A_746, %swap3A_747], %swap3A_750 {strides = array<i32>} : memref<16x128xf32, #tpu.memory_space<vmem>>, vector<1x16xf32>,
    %swap3A_751 = arith.constant 15 : i32
    %swap3A_752 = arith.index_cast %swap3A_751 : i32 to index
    %swap3A_753 = arith.constant 80 : index
    %swap3A_754 = tpu.vector_load %arg9[%swap3A_752, %swap3A_753] {strides = array<i32>} : memref<16x128xf32, #tpu.memory_space<vmem>>, vector<1x16xf32>,
    %swap3A_755 = vector.shape_cast %swap3A_754 : vector<1x16xf32> to vector<16xf32>
    %swap3A_756 = vector.shape_cast %broadcast_in_dim3A_1 : vector<16xf32> to vector<1x16xf32>
    tpu.vector_store %arg9[%swap3A_752, %swap3A_753], %swap3A_756 {strides = array<i32>} : memref<16x128xf32, #tpu.memory_space<vmem>>, vector<1x16xf32>,
    %swap3A_757 = arith.constant 15 : i32
    %swap3A_758 = arith.index_cast %swap3A_757 : i32 to index
    %swap3A_759 = arith.constant 96 : index
    %swap3A_760 = tpu.vector_load %arg9[%swap3A_758, %swap3A_759] {strides = array<i32>} : memref<16x128xf32, #tpu.memory_space<vmem>>, vector<1x16xf32>,
    %swap3A_761 = vector.shape_cast %swap3A_760 : vector<1x16xf32> to vector<16xf32>
    %swap3A_762 = vector.shape_cast %broadcast_in_dim3A_1 : vector<16xf32> to vector<1x16xf32>
    tpu.vector_store %arg9[%swap3A_758, %swap3A_759], %swap3A_762 {strides = array<i32>} : memref<16x128xf32, #tpu.memory_space<vmem>>, vector<1x16xf32>,
    %swap3A_763 = arith.constant 15 : i32
    %swap3A_764 = arith.index_cast %swap3A_763 : i32 to index
    %swap3A_765 = arith.constant 112 : index
    %swap3A_766 = tpu.vector_load %arg9[%swap3A_764, %swap3A_765] {strides = array<i32>} : memref<16x128xf32, #tpu.memory_space<vmem>>, vector<1x16xf32>,
    %swap3A_767 = vector.shape_cast %swap3A_766 : vector<1x16xf32> to vector<16xf32>
    %swap3A_768 = vector.shape_cast %broadcast_in_dim3A_1 : vector<16xf32> to vector<1x16xf32>
    tpu.vector_store %arg9[%swap3A_764, %swap3A_765], %swap3A_768 {strides = array<i32>} : memref<16x128xf32, #tpu.memory_space<vmem>>, vector<1x16xf32>,
    %mul3A_769 = arith.constant 16 : i32
    %mul3A_770 = arith.muli %arg1, %mul3A_769 : i32
    "tpu.region"() ({
      %run_scoped3A = tpu.sem_alloc : memref<!tpu.dma_semaphore, #tpu.memory_space<semaphore_mem>>
      %dma_start3A = arith.constant 0 : i32
      %dma_start3A_803 = tpu.memref_slice %arg10[%mul3A_770, %dma_start3A] : memref<256x128xf32, #tpu.memory_space<vmem_shared>> -> memref<16x128xf32, #tpu.memory_space<vmem_shared>>
      %dma_start3A_804 = arith.constant 0 : i32
      %dma_start3A_805 = tpu.memref_slice %arg10[%mul3A_770, %dma_start3A_804] : memref<256x128xf32, #tpu.memory_space<vmem_shared>> -> memref<16x128xf32, #tpu.memory_space<vmem_shared>>
      tpu.enqueue_dma source(%arg9 : memref<16x128xf32, #tpu.memory_space<vmem>>) target(%dma_start3A_805 : memref<16x128xf32, #tpu.memory_space<vmem_shared>>) target_semaphore(%run_scoped3A : memref<!tpu.dma_semaphore, #tpu.memory_space<semaphore_mem>>)
      %dma_wait3A = arith.constant 0 : i32
      %dma_wait3A_806 = tpu.memref_slice %arg10[%mul3A_770, %dma_wait3A] : memref<256x128xf32, #tpu.memory_space<vmem_shared>> -> memref<16x128xf32, #tpu.memory_space<vmem_shared>>
      %dma_wait3A_807 = arith.constant 0 : i32
      %dma_wait3A_808 = tpu.memref_slice %arg10[%mul3A_770, %dma_wait3A_807] : memref<256x128xf32, #tpu.memory_space<vmem_shared>> -> memref<16x128xf32, #tpu.memory_space<vmem_shared>>
      tpu.wait_dma2 semaphore(%run_scoped3A : memref<!tpu.dma_semaphore, #tpu.memory_space<semaphore_mem>>) src(%arg9 : memref<16x128xf32, #tpu.memory_space<vmem>>) dst(%dma_wait3A_808 : memref<16x128xf32, #tpu.memory_space<vmem_shared>>)
      tpu.yield
    }) : () -> ()
    %barrier3A = arith.constant 0 : index
    tpu.barrier barrier_id(%barrier3A)
    %sub3A = arith.constant 249 : i32
    %sub3A_771 = arith.subi %sub3A, %add3A : i32
    %jit3A = arith.constant 32 : i32
    %div3A = arith.divsi %sub3A_771, %jit3A : i32
    %sign3A = arith.constant 0 : i32
    %sign3A_772 = arith.cmpi sgt, %sub3A_771, %sign3A : i32
    %sign3A_773 = arith.extui %sign3A_772 : i1 to i32
    %sign3A_774 = arith.constant 0 : i32
    %sign3A_775 = arith.cmpi slt, %sub3A_771, %sign3A_774 : i32
    %sign3A_776 = arith.extui %sign3A_775 : i1 to i32
    %sign3A_777 = arith.subi %sign3A_773, %sign3A_776 : i32
    %sign3A_778 = arith.constant 0 : i32
    %sign3A_779 = arith.cmpi sgt, %jit3A, %sign3A_778 : i32
    %sign3A_780 = arith.extui %sign3A_779 : i1 to i32
    %sign3A_781 = arith.constant 0 : i32
    %sign3A_782 = arith.cmpi slt, %jit3A, %sign3A_781 : i32
    %sign3A_783 = arith.extui %sign3A_782 : i1 to i32
    %sign3A_784 = arith.subi %sign3A_780, %sign3A_783 : i32
    %ne3A = arith.cmpi ne, %sign3A_777, %sign3A_784 : i32
    %rem3A = arith.remsi %sub3A_771, %jit3A : i32
    %ne3A_785 = arith.constant 0 : i32
    %ne3A_786 = arith.cmpi ne, %rem3A, %ne3A_785 : i32
    %and3A = arith.andi %ne3A, %ne3A_786 : i1
    %sub3A_787 = arith.constant 1 : i32
    %sub3A_788 = arith.subi %div3A, %sub3A_787 : i32
    %select_n3A = arith.select %and3A, %sub3A_788, %div3A : i32
    %add3A_789 = arith.constant 1 : i32
    %add3A_790 = arith.addi %select_n3A, %add3A_789 : i32
    %while3A = arith.constant 0 : i32
    %while3A_791 = arith.constant 0 : i32
    %while3A_792 = arith.subi %add3A_790, %while3A_791 : i32
    %while3A_793 = arith.addi %while3A_791, %while3A_792 : i32
    %while3A_794 = arith.constant 1 : i32
    %while3A_795 = arith.divsi %while3A_792, %while3A_794 : i32
    %while3A_796 = arith.muli %while3A_795, %while3A_794 : i32
    %while3A_797 = arith.addi %while3A_791, %while3A_796 : i32
    %while3A_798 = arith.constant 1 : i32
    scf.for %while3A_803 = %while3A_791 to %while3A_797 step %while3A_798  : i32 {
      %mul3A_804 = arith.constant 32 : i32
      %mul3A_805 = arith.muli %while3A_803, %mul3A_804 : i32
      %add3A_806 = arith.addi %add3A, %mul3A_805 : i32
      %mul3A_807 = arith.constant 128 : i32
      %mul3A_808 = arith.muli %add3A_806, %mul3A_807 : i32
      "tpu.region"() ({
        %run_scoped3A = tpu.sem_alloc : memref<!tpu.dma_semaphore, #tpu.memory_space<semaphore_mem>>
        %dma_start3A = arith.constant 0 : i32
        %dma_start3A_811 = tpu.memref_slice %arg2[%mul3A_808, %dma_start3A] : memref<100000x128xf32, #tpu.memory_space<hbm>> -> memref<128x128xf32, #tpu.memory_space<hbm>>
        %dma_start3A_812 = arith.constant 0 : i32
        %dma_start3A_813 = tpu.memref_slice %arg2[%mul3A_808, %dma_start3A_812] : memref<100000x128xf32, #tpu.memory_space<hbm>> -> memref<128x128xf32, #tpu.memory_space<hbm>>
        tpu.enqueue_dma source(%dma_start3A_813 : memref<128x128xf32, #tpu.memory_space<hbm>>) target(%arg6 : memref<128x128xf32, #tpu.memory_space<vmem>>) target_semaphore(%run_scoped3A : memref<!tpu.dma_semaphore, #tpu.memory_space<semaphore_mem>>)
        %dma_wait3A = arith.constant 0 : i32
        %dma_wait3A_814 = tpu.memref_slice %arg2[%mul3A_808, %dma_wait3A] : memref<100000x128xf32, #tpu.memory_space<hbm>> -> memref<128x128xf32, #tpu.memory_space<hbm>>
        %dma_wait3A_815 = arith.constant 0 : i32
        %dma_wait3A_816 = tpu.memref_slice %arg2[%mul3A_808, %dma_wait3A_815] : memref<100000x128xf32, #tpu.memory_space<hbm>> -> memref<128x128xf32, #tpu.memory_space<hbm>>
        tpu.wait_dma2 semaphore(%run_scoped3A : memref<!tpu.dma_semaphore, #tpu.memory_space<semaphore_mem>>) src(%dma_wait3A_816 : memref<128x128xf32, #tpu.memory_space<hbm>>) dst(%arg6 : memref<128x128xf32, #tpu.memory_space<vmem>>)
        tpu.yield
      }) : () -> ()
      "tpu.region"() ({
        %run_scoped3A = tpu.sem_alloc : memref<!tpu.dma_semaphore, #tpu.memory_space<semaphore_mem>>
        %dma_start3A = arith.constant 0 : i32
        %dma_start3A_811 = tpu.memref_slice %arg7[%dma_start3A] : memref<144xf32, #tpu.memory_space<vmem>> -> memref<128xf32, #tpu.memory_space<vmem>>
        %dma_start3A_812 = tpu.memref_slice %arg3[%mul3A_808] : memref<32000xf32, #tpu.memory_space<hbm>> -> memref<128xf32, #tpu.memory_space<hbm>>
        %dma_start3A_813 = arith.constant 0 : i32
        %dma_start3A_814 = tpu.memref_slice %arg7[%dma_start3A_813] : memref<144xf32, #tpu.memory_space<vmem>> -> memref<128xf32, #tpu.memory_space<vmem>>
        %dma_start3A_815 = tpu.memref_slice %arg3[%mul3A_808] : memref<32000xf32, #tpu.memory_space<hbm>> -> memref<128xf32, #tpu.memory_space<hbm>>
        tpu.enqueue_dma source(%dma_start3A_815 : memref<128xf32, #tpu.memory_space<hbm>>) target(%dma_start3A_814 : memref<128xf32, #tpu.memory_space<vmem>>) target_semaphore(%run_scoped3A : memref<!tpu.dma_semaphore, #tpu.memory_space<semaphore_mem>>)
        %dma_wait3A = arith.constant 0 : i32
        %dma_wait3A_816 = tpu.memref_slice %arg7[%dma_wait3A] : memref<144xf32, #tpu.memory_space<vmem>> -> memref<128xf32, #tpu.memory_space<vmem>>
        %dma_wait3A_817 = tpu.memref_slice %arg3[%mul3A_808] : memref<32000xf32, #tpu.memory_space<hbm>> -> memref<128xf32, #tpu.memory_space<hbm>>
        %dma_wait3A_818 = arith.constant 0 : i32
        %dma_wait3A_819 = tpu.memref_slice %arg7[%dma_wait3A_818] : memref<144xf32, #tpu.memory_space<vmem>> -> memref<128xf32, #tpu.memory_space<vmem>>
        %dma_wait3A_820 = tpu.memref_slice %arg3[%mul3A_808] : memref<32000xf32, #tpu.memory_space<hbm>> -> memref<128xf32, #tpu.memory_space<hbm>>
        tpu.wait_dma2 semaphore(%run_scoped3A : memref<!tpu.dma_semaphore, #tpu.memory_space<semaphore_mem>>) src(%dma_wait3A_820 : memref<128xf32, #tpu.memory_space<hbm>>) dst(%dma_wait3A_819 : memref<128xf32, #tpu.memory_space<vmem>>)
        tpu.yield
      }) : () -> ()
      "tpu.region"() ({
        %run_scoped3A = tpu.sem_alloc : memref<!tpu.dma_semaphore, #tpu.memory_space<semaphore_mem>>
        %dma_start3A = tpu.memref_slice %arg4[%mul3A_808] : memref<100000xi32, #tpu.memory_space<hbm>> -> memref<128xi32, #tpu.memory_space<hbm>>
        %dma_start3A_811 = tpu.memref_slice %arg4[%mul3A_808] : memref<100000xi32, #tpu.memory_space<hbm>> -> memref<128xi32, #tpu.memory_space<hbm>>
        tpu.enqueue_dma source(%dma_start3A_811 : memref<128xi32, #tpu.memory_space<hbm>>) target(%arg8 : memref<128xi32, #tpu.memory_space<vmem>>) target_semaphore(%run_scoped3A : memref<!tpu.dma_semaphore, #tpu.memory_space<semaphore_mem>>)
        %dma_wait3A = tpu.memref_slice %arg4[%mul3A_808] : memref<100000xi32, #tpu.memory_space<hbm>> -> memref<128xi32, #tpu.memory_space<hbm>>
        %dma_wait3A_812 = tpu.memref_slice %arg4[%mul3A_808] : memref<100000xi32, #tpu.memory_space<hbm>> -> memref<128xi32, #tpu.memory_space<hbm>>
        tpu.wait_dma2 semaphore(%run_scoped3A : memref<!tpu.dma_semaphore, #tpu.memory_space<semaphore_mem>>) src(%dma_wait3A_812 : memref<128xi32, #tpu.memory_space<hbm>>) dst(%arg8 : memref<128xi32, #tpu.memory_space<vmem>>)
        tpu.yield
      }) : () -> ()
      %parallel_loop3A = arith.constant 0 : i32
      %parallel_loop3A_809 = arith.constant 128 : i32
      %parallel_loop3A_810 = arith.constant 1 : i32
      scf.for %parallel_loop3A_811 = %parallel_loop3A to %parallel_loop3A_809 step %parallel_loop3A_810  : i32 {
        %parallel_loop3A_812 = arith.index_cast %parallel_loop3A_811 : i32 to index
        %parallel_loop3A_813 = tpu.vector_load %arg7[%parallel_loop3A_812] {strides = array<i32>} : memref<144xf32, #tpu.memory_space<vmem>>, vector<16xf32>,
        %parallel_loop3A_814 = vector.shape_cast %parallel_loop3A_813 : vector<16xf32> to vector<16xf32>
        %parallel_loop3A_815 = vector.extract_strided_slice %parallel_loop3A_814 {offsets = [0], sizes = [1], strides = [1]} : vector<16xf32> to vector<1xf32>
        %parallel_loop3A_816 = vector.extract %parallel_loop3A_815[0] : f32 from vector<1xf32>
        %parallel_loop3A_817 = vector.broadcast %parallel_loop3A_816 : f32 to vector<16xf32>
        %parallel_loop3A_818 = arith.index_cast %parallel_loop3A_811 : i32 to index
        %parallel_loop3A_819 = arith.constant 0 : index
        %parallel_loop3A_820 = tpu.vector_load %arg6[%parallel_loop3A_818, %parallel_loop3A_819] {strides = array<i32>} : memref<128x128xf32, #tpu.memory_space<vmem>>, vector<1x16xf32>,
        %parallel_loop3A_821 = vector.shape_cast %parallel_loop3A_820 : vector<1x16xf32> to vector<16xf32>
        %parallel_loop3A_822 = arith.mulf %parallel_loop3A_821, %parallel_loop3A_817 : vector<16xf32>
        %parallel_loop3A_823 = arith.index_cast %parallel_loop3A_811 : i32 to index
        %parallel_loop3A_824 = arith.constant 0 : index
        %parallel_loop3A_825 = tpu.vector_load %arg6[%parallel_loop3A_823, %parallel_loop3A_824] {strides = array<i32>} : memref<128x128xf32, #tpu.memory_space<vmem>>, vector<1x16xf32>,
        %parallel_loop3A_826 = vector.shape_cast %parallel_loop3A_825 : vector<1x16xf32> to vector<16xf32>
        %parallel_loop3A_827 = vector.shape_cast %parallel_loop3A_822 : vector<16xf32> to vector<1x16xf32>
        tpu.vector_store %arg6[%parallel_loop3A_823, %parallel_loop3A_824], %parallel_loop3A_827 {strides = array<i32>} : memref<128x128xf32, #tpu.memory_space<vmem>>, vector<1x16xf32>,
        %parallel_loop3A_828 = arith.index_cast %parallel_loop3A_811 : i32 to index
        %parallel_loop3A_829 = arith.constant 16 : index
        %parallel_loop3A_830 = tpu.vector_load %arg6[%parallel_loop3A_828, %parallel_loop3A_829] {strides = array<i32>} : memref<128x128xf32, #tpu.memory_space<vmem>>, vector<1x16xf32>,
        %parallel_loop3A_831 = vector.shape_cast %parallel_loop3A_830 : vector<1x16xf32> to vector<16xf32>
        %parallel_loop3A_832 = arith.mulf %parallel_loop3A_831, %parallel_loop3A_817 : vector<16xf32>
        %parallel_loop3A_833 = arith.index_cast %parallel_loop3A_811 : i32 to index
        %parallel_loop3A_834 = arith.constant 16 : index
        %parallel_loop3A_835 = tpu.vector_load %arg6[%parallel_loop3A_833, %parallel_loop3A_834] {strides = array<i32>} : memref<128x128xf32, #tpu.memory_space<vmem>>, vector<1x16xf32>,
        %parallel_loop3A_836 = vector.shape_cast %parallel_loop3A_835 : vector<1x16xf32> to vector<16xf32>
        %parallel_loop3A_837 = vector.shape_cast %parallel_loop3A_832 : vector<16xf32> to vector<1x16xf32>
        tpu.vector_store %arg6[%parallel_loop3A_833, %parallel_loop3A_834], %parallel_loop3A_837 {strides = array<i32>} : memref<128x128xf32, #tpu.memory_space<vmem>>, vector<1x16xf32>,
        %parallel_loop3A_838 = arith.index_cast %parallel_loop3A_811 : i32 to index
        %parallel_loop3A_839 = arith.constant 32 : index
        %parallel_loop3A_840 = tpu.vector_load %arg6[%parallel_loop3A_838, %parallel_loop3A_839] {strides = array<i32>} : memref<128x128xf32, #tpu.memory_space<vmem>>, vector<1x16xf32>,
        %parallel_loop3A_841 = vector.shape_cast %parallel_loop3A_840 : vector<1x16xf32> to vector<16xf32>
        %parallel_loop3A_842 = arith.mulf %parallel_loop3A_841, %parallel_loop3A_817 : vector<16xf32>
        %parallel_loop3A_843 = arith.index_cast %parallel_loop3A_811 : i32 to index
        %parallel_loop3A_844 = arith.constant 32 : index
        %parallel_loop3A_845 = tpu.vector_load %arg6[%parallel_loop3A_843, %parallel_loop3A_844] {strides = array<i32>} : memref<128x128xf32, #tpu.memory_space<vmem>>, vector<1x16xf32>,
        %parallel_loop3A_846 = vector.shape_cast %parallel_loop3A_845 : vector<1x16xf32> to vector<16xf32>
        %parallel_loop3A_847 = vector.shape_cast %parallel_loop3A_842 : vector<16xf32> to vector<1x16xf32>
        tpu.vector_store %arg6[%parallel_loop3A_843, %parallel_loop3A_844], %parallel_loop3A_847 {strides = array<i32>} : memref<128x128xf32, #tpu.memory_space<vmem>>, vector<1x16xf32>,
        %parallel_loop3A_848 = arith.index_cast %parallel_loop3A_811 : i32 to index
        %parallel_loop3A_849 = arith.constant 48 : index
        %parallel_loop3A_850 = tpu.vector_load %arg6[%parallel_loop3A_848, %parallel_loop3A_849] {strides = array<i32>} : memref<128x128xf32, #tpu.memory_space<vmem>>, vector<1x16xf32>,
        %parallel_loop3A_851 = vector.shape_cast %parallel_loop3A_850 : vector<1x16xf32> to vector<16xf32>
        %parallel_loop3A_852 = arith.mulf %parallel_loop3A_851, %parallel_loop3A_817 : vector<16xf32>
        %parallel_loop3A_853 = arith.index_cast %parallel_loop3A_811 : i32 to index
        %parallel_loop3A_854 = arith.constant 48 : index
        %parallel_loop3A_855 = tpu.vector_load %arg6[%parallel_loop3A_853, %parallel_loop3A_854] {strides = array<i32>} : memref<128x128xf32, #tpu.memory_space<vmem>>, vector<1x16xf32>,
        %parallel_loop3A_856 = vector.shape_cast %parallel_loop3A_855 : vector<1x16xf32> to vector<16xf32>
        %parallel_loop3A_857 = vector.shape_cast %parallel_loop3A_852 : vector<16xf32> to vector<1x16xf32>
        tpu.vector_store %arg6[%parallel_loop3A_853, %parallel_loop3A_854], %parallel_loop3A_857 {strides = array<i32>} : memref<128x128xf32, #tpu.memory_space<vmem>>, vector<1x16xf32>,
        %parallel_loop3A_858 = arith.index_cast %parallel_loop3A_811 : i32 to index
        %parallel_loop3A_859 = arith.constant 64 : index
        %parallel_loop3A_860 = tpu.vector_load %arg6[%parallel_loop3A_858, %parallel_loop3A_859] {strides = array<i32>} : memref<128x128xf32, #tpu.memory_space<vmem>>, vector<1x16xf32>,
        %parallel_loop3A_861 = vector.shape_cast %parallel_loop3A_860 : vector<1x16xf32> to vector<16xf32>
        %parallel_loop3A_862 = arith.mulf %parallel_loop3A_861, %parallel_loop3A_817 : vector<16xf32>
        %parallel_loop3A_863 = arith.index_cast %parallel_loop3A_811 : i32 to index
        %parallel_loop3A_864 = arith.constant 64 : index
        %parallel_loop3A_865 = tpu.vector_load %arg6[%parallel_loop3A_863, %parallel_loop3A_864] {strides = array<i32>} : memref<128x128xf32, #tpu.memory_space<vmem>>, vector<1x16xf32>,
        %parallel_loop3A_866 = vector.shape_cast %parallel_loop3A_865 : vector<1x16xf32> to vector<16xf32>
        %parallel_loop3A_867 = vector.shape_cast %parallel_loop3A_862 : vector<16xf32> to vector<1x16xf32>
        tpu.vector_store %arg6[%parallel_loop3A_863, %parallel_loop3A_864], %parallel_loop3A_867 {strides = array<i32>} : memref<128x128xf32, #tpu.memory_space<vmem>>, vector<1x16xf32>,
        %parallel_loop3A_868 = arith.index_cast %parallel_loop3A_811 : i32 to index
        %parallel_loop3A_869 = arith.constant 80 : index
        %parallel_loop3A_870 = tpu.vector_load %arg6[%parallel_loop3A_868, %parallel_loop3A_869] {strides = array<i32>} : memref<128x128xf32, #tpu.memory_space<vmem>>, vector<1x16xf32>,
        %parallel_loop3A_871 = vector.shape_cast %parallel_loop3A_870 : vector<1x16xf32> to vector<16xf32>
        %parallel_loop3A_872 = arith.mulf %parallel_loop3A_871, %parallel_loop3A_817 : vector<16xf32>
        %parallel_loop3A_873 = arith.index_cast %parallel_loop3A_811 : i32 to index
        %parallel_loop3A_874 = arith.constant 80 : index
        %parallel_loop3A_875 = tpu.vector_load %arg6[%parallel_loop3A_873, %parallel_loop3A_874] {strides = array<i32>} : memref<128x128xf32, #tpu.memory_space<vmem>>, vector<1x16xf32>,
        %parallel_loop3A_876 = vector.shape_cast %parallel_loop3A_875 : vector<1x16xf32> to vector<16xf32>
        %parallel_loop3A_877 = vector.shape_cast %parallel_loop3A_872 : vector<16xf32> to vector<1x16xf32>
        tpu.vector_store %arg6[%parallel_loop3A_873, %parallel_loop3A_874], %parallel_loop3A_877 {strides = array<i32>} : memref<128x128xf32, #tpu.memory_space<vmem>>, vector<1x16xf32>,
        %parallel_loop3A_878 = arith.index_cast %parallel_loop3A_811 : i32 to index
        %parallel_loop3A_879 = arith.constant 96 : index
        %parallel_loop3A_880 = tpu.vector_load %arg6[%parallel_loop3A_878, %parallel_loop3A_879] {strides = array<i32>} : memref<128x128xf32, #tpu.memory_space<vmem>>, vector<1x16xf32>,
        %parallel_loop3A_881 = vector.shape_cast %parallel_loop3A_880 : vector<1x16xf32> to vector<16xf32>
        %parallel_loop3A_882 = arith.mulf %parallel_loop3A_881, %parallel_loop3A_817 : vector<16xf32>
        %parallel_loop3A_883 = arith.index_cast %parallel_loop3A_811 : i32 to index
        %parallel_loop3A_884 = arith.constant 96 : index
        %parallel_loop3A_885 = tpu.vector_load %arg6[%parallel_loop3A_883, %parallel_loop3A_884] {strides = array<i32>} : memref<128x128xf32, #tpu.memory_space<vmem>>, vector<1x16xf32>,
        %parallel_loop3A_886 = vector.shape_cast %parallel_loop3A_885 : vector<1x16xf32> to vector<16xf32>
        %parallel_loop3A_887 = vector.shape_cast %parallel_loop3A_882 : vector<16xf32> to vector<1x16xf32>
        tpu.vector_store %arg6[%parallel_loop3A_883, %parallel_loop3A_884], %parallel_loop3A_887 {strides = array<i32>} : memref<128x128xf32, #tpu.memory_space<vmem>>, vector<1x16xf32>,
        %parallel_loop3A_888 = arith.index_cast %parallel_loop3A_811 : i32 to index
        %parallel_loop3A_889 = arith.constant 112 : index
        %parallel_loop3A_890 = tpu.vector_load %arg6[%parallel_loop3A_888, %parallel_loop3A_889] {strides = array<i32>} : memref<128x128xf32, #tpu.memory_space<vmem>>, vector<1x16xf32>,
        %parallel_loop3A_891 = vector.shape_cast %parallel_loop3A_890 : vector<1x16xf32> to vector<16xf32>
        %parallel_loop3A_892 = arith.mulf %parallel_loop3A_891, %parallel_loop3A_817 : vector<16xf32>
        %parallel_loop3A_893 = arith.index_cast %parallel_loop3A_811 : i32 to index
        %parallel_loop3A_894 = arith.constant 112 : index
        %parallel_loop3A_895 = tpu.vector_load %arg6[%parallel_loop3A_893, %parallel_loop3A_894] {strides = array<i32>} : memref<128x128xf32, #tpu.memory_space<vmem>>, vector<1x16xf32>,
        %parallel_loop3A_896 = vector.shape_cast %parallel_loop3A_895 : vector<1x16xf32> to vector<16xf32>
        %parallel_loop3A_897 = vector.shape_cast %parallel_loop3A_892 : vector<16xf32> to vector<1x16xf32>
        tpu.vector_store %arg6[%parallel_loop3A_893, %parallel_loop3A_894], %parallel_loop3A_897 {strides = array<i32>} : memref<128x128xf32, #tpu.memory_space<vmem>>, vector<1x16xf32>,
      } {sc.loop_unroll_factor = 8 : i64, sc.parallel_access}
      "tpu.region"() ({
        %run_scoped3A = tpu.sem_alloc : memref<!tpu.dma_semaphore, #tpu.memory_space<semaphore_mem>>
        %dma_start3A = arith.constant 0 : i32
        %dma_start3A_811 = arith.constant 0 : i32
        %dma_start3A_812 = tpu.memref_slice %arg10[%dma_start3A, %dma_start3A_811] : memref<256x128xf32, #tpu.memory_space<vmem_shared>> -> memref<256x128xf32, #tpu.memory_space<vmem_shared>>
        tpu.enqueue_indirect_dma source(%arg6 : memref<128x128xf32, #tpu.memory_space<vmem>>) target(%dma_start3A_812 : memref<256x128xf32, #tpu.memory_space<vmem_shared>>) offsets(%arg8 : memref<128xi32, #tpu.memory_space<vmem>>) semaphore(%run_scoped3A : memref<!tpu.dma_semaphore, #tpu.memory_space<semaphore_mem>>) {add = true}
        %dma_wait3A = arith.constant 0 : i32
        %dma_wait3A_813 = arith.constant 0 : i32
        %dma_wait3A_814 = tpu.memref_slice %arg10[%dma_wait3A, %dma_wait3A_813] : memref<256x128xf32, #tpu.memory_space<vmem_shared>> -> memref<256x128xf32, #tpu.memory_space<vmem_shared>>
        tpu.wait_indirect_dma semaphore(%run_scoped3A : memref<!tpu.dma_semaphore, #tpu.memory_space<semaphore_mem>>) src(%arg6 : memref<128x128xf32, #tpu.memory_space<vmem>>) dst(%dma_wait3A_814 : memref<256x128xf32, #tpu.memory_space<vmem_shared>>)
        tpu.yield
      }) : () -> ()
    }
    %while3A_799 = arith.constant 1 : i32
    scf.for %while3A_803 = %while3A_797 to %while3A_793 step %while3A_799  : i32 {
      %mul3A_804 = arith.constant 32 : i32
      %mul3A_805 = arith.muli %while3A_803, %mul3A_804 : i32
      %add3A_806 = arith.addi %add3A, %mul3A_805 : i32
      %mul3A_807 = arith.constant 128 : i32
      %mul3A_808 = arith.muli %add3A_806, %mul3A_807 : i32
      "tpu.region"() ({
        %run_scoped3A = tpu.sem_alloc : memref<!tpu.dma_semaphore, #tpu.memory_space<semaphore_mem>>
        %dma_start3A = arith.constant 0 : i32
        %dma_start3A_811 = tpu.memref_slice %arg2[%mul3A_808, %dma_start3A] : memref<100000x128xf32, #tpu.memory_space<hbm>> -> memref<128x128xf32, #tpu.memory_space<hbm>>
        %dma_start3A_812 = arith.constant 0 : i32
        %dma_start3A_813 = tpu.memref_slice %arg2[%mul3A_808, %dma_start3A_812] : memref<100000x128xf32, #tpu.memory_space<hbm>> -> memref<128x128xf32, #tpu.memory_space<hbm>>
        tpu.enqueue_dma source(%dma_start3A_813 : memref<128x128xf32, #tpu.memory_space<hbm>>) target(%arg6 : memref<128x128xf32, #tpu.memory_space<vmem>>) target_semaphore(%run_scoped3A : memref<!tpu.dma_semaphore, #tpu.memory_space<semaphore_mem>>)
        %dma_wait3A = arith.constant 0 : i32
        %dma_wait3A_814 = tpu.memref_slice %arg2[%mul3A_808, %dma_wait3A] : memref<100000x128xf32, #tpu.memory_space<hbm>> -> memref<128x128xf32, #tpu.memory_space<hbm>>
        %dma_wait3A_815 = arith.constant 0 : i32
        %dma_wait3A_816 = tpu.memref_slice %arg2[%mul3A_808, %dma_wait3A_815] : memref<100000x128xf32, #tpu.memory_space<hbm>> -> memref<128x128xf32, #tpu.memory_space<hbm>>
        tpu.wait_dma2 semaphore(%run_scoped3A : memref<!tpu.dma_semaphore, #tpu.memory_space<semaphore_mem>>) src(%dma_wait3A_816 : memref<128x128xf32, #tpu.memory_space<hbm>>) dst(%arg6 : memref<128x128xf32, #tpu.memory_space<vmem>>)
        tpu.yield
      }) : () -> ()
      "tpu.region"() ({
        %run_scoped3A = tpu.sem_alloc : memref<!tpu.dma_semaphore, #tpu.memory_space<semaphore_mem>>
        %dma_start3A = arith.constant 0 : i32
        %dma_start3A_811 = tpu.memref_slice %arg7[%dma_start3A] : memref<144xf32, #tpu.memory_space<vmem>> -> memref<128xf32, #tpu.memory_space<vmem>>
        %dma_start3A_812 = tpu.memref_slice %arg3[%mul3A_808] : memref<32000xf32, #tpu.memory_space<hbm>> -> memref<128xf32, #tpu.memory_space<hbm>>
        %dma_start3A_813 = arith.constant 0 : i32
        %dma_start3A_814 = tpu.memref_slice %arg7[%dma_start3A_813] : memref<144xf32, #tpu.memory_space<vmem>> -> memref<128xf32, #tpu.memory_space<vmem>>
        %dma_start3A_815 = tpu.memref_slice %arg3[%mul3A_808] : memref<32000xf32, #tpu.memory_space<hbm>> -> memref<128xf32, #tpu.memory_space<hbm>>
        tpu.enqueue_dma source(%dma_start3A_815 : memref<128xf32, #tpu.memory_space<hbm>>) target(%dma_start3A_814 : memref<128xf32, #tpu.memory_space<vmem>>) target_semaphore(%run_scoped3A : memref<!tpu.dma_semaphore, #tpu.memory_space<semaphore_mem>>)
        %dma_wait3A = arith.constant 0 : i32
        %dma_wait3A_816 = tpu.memref_slice %arg7[%dma_wait3A] : memref<144xf32, #tpu.memory_space<vmem>> -> memref<128xf32, #tpu.memory_space<vmem>>
        %dma_wait3A_817 = tpu.memref_slice %arg3[%mul3A_808] : memref<32000xf32, #tpu.memory_space<hbm>> -> memref<128xf32, #tpu.memory_space<hbm>>
        %dma_wait3A_818 = arith.constant 0 : i32
        %dma_wait3A_819 = tpu.memref_slice %arg7[%dma_wait3A_818] : memref<144xf32, #tpu.memory_space<vmem>> -> memref<128xf32, #tpu.memory_space<vmem>>
        %dma_wait3A_820 = tpu.memref_slice %arg3[%mul3A_808] : memref<32000xf32, #tpu.memory_space<hbm>> -> memref<128xf32, #tpu.memory_space<hbm>>
        tpu.wait_dma2 semaphore(%run_scoped3A : memref<!tpu.dma_semaphore, #tpu.memory_space<semaphore_mem>>) src(%dma_wait3A_820 : memref<128xf32, #tpu.memory_space<hbm>>) dst(%dma_wait3A_819 : memref<128xf32, #tpu.memory_space<vmem>>)
        tpu.yield
      }) : () -> ()
      "tpu.region"() ({
        %run_scoped3A = tpu.sem_alloc : memref<!tpu.dma_semaphore, #tpu.memory_space<semaphore_mem>>
        %dma_start3A = tpu.memref_slice %arg4[%mul3A_808] : memref<100000xi32, #tpu.memory_space<hbm>> -> memref<128xi32, #tpu.memory_space<hbm>>
        %dma_start3A_811 = tpu.memref_slice %arg4[%mul3A_808] : memref<100000xi32, #tpu.memory_space<hbm>> -> memref<128xi32, #tpu.memory_space<hbm>>
        tpu.enqueue_dma source(%dma_start3A_811 : memref<128xi32, #tpu.memory_space<hbm>>) target(%arg8 : memref<128xi32, #tpu.memory_space<vmem>>) target_semaphore(%run_scoped3A : memref<!tpu.dma_semaphore, #tpu.memory_space<semaphore_mem>>)
        %dma_wait3A = tpu.memref_slice %arg4[%mul3A_808] : memref<100000xi32, #tpu.memory_space<hbm>> -> memref<128xi32, #tpu.memory_space<hbm>>
        %dma_wait3A_812 = tpu.memref_slice %arg4[%mul3A_808] : memref<100000xi32, #tpu.memory_space<hbm>> -> memref<128xi32, #tpu.memory_space<hbm>>
        tpu.wait_dma2 semaphore(%run_scoped3A : memref<!tpu.dma_semaphore, #tpu.memory_space<semaphore_mem>>) src(%dma_wait3A_812 : memref<128xi32, #tpu.memory_space<hbm>>) dst(%arg8 : memref<128xi32, #tpu.memory_space<vmem>>)
        tpu.yield
      }) : () -> ()
      %parallel_loop3A = arith.constant 0 : i32
      %parallel_loop3A_809 = arith.constant 128 : i32
      %parallel_loop3A_810 = arith.constant 1 : i32
      scf.for %parallel_loop3A_811 = %parallel_loop3A to %parallel_loop3A_809 step %parallel_loop3A_810  : i32 {
        %parallel_loop3A_812 = arith.index_cast %parallel_loop3A_811 : i32 to index
        %parallel_loop3A_813 = tpu.vector_load %arg7[%parallel_loop3A_812] {strides = array<i32>} : memref<144xf32, #tpu.memory_space<vmem>>, vector<16xf32>,
        %parallel_loop3A_814 = vector.shape_cast %parallel_loop3A_813 : vector<16xf32> to vector<16xf32>
        %parallel_loop3A_815 = vector.extract_strided_slice %parallel_loop3A_814 {offsets = [0], sizes = [1], strides = [1]} : vector<16xf32> to vector<1xf32>
        %parallel_loop3A_816 = vector.extract %parallel_loop3A_815[0] : f32 from vector<1xf32>
        %parallel_loop3A_817 = vector.broadcast %parallel_loop3A_816 : f32 to vector<16xf32>
        %parallel_loop3A_818 = arith.index_cast %parallel_loop3A_811 : i32 to index
        %parallel_loop3A_819 = arith.constant 0 : index
        %parallel_loop3A_820 = tpu.vector_load %arg6[%parallel_loop3A_818, %parallel_loop3A_819] {strides = array<i32>} : memref<128x128xf32, #tpu.memory_space<vmem>>, vector<1x16xf32>,
        %parallel_loop3A_821 = vector.shape_cast %parallel_loop3A_820 : vector<1x16xf32> to vector<16xf32>
        %parallel_loop3A_822 = arith.mulf %parallel_loop3A_821, %parallel_loop3A_817 : vector<16xf32>
        %parallel_loop3A_823 = arith.index_cast %parallel_loop3A_811 : i32 to index
        %parallel_loop3A_824 = arith.constant 0 : index
        %parallel_loop3A_825 = tpu.vector_load %arg6[%parallel_loop3A_823, %parallel_loop3A_824] {strides = array<i32>} : memref<128x128xf32, #tpu.memory_space<vmem>>, vector<1x16xf32>,
        %parallel_loop3A_826 = vector.shape_cast %parallel_loop3A_825 : vector<1x16xf32> to vector<16xf32>
        %parallel_loop3A_827 = vector.shape_cast %parallel_loop3A_822 : vector<16xf32> to vector<1x16xf32>
        tpu.vector_store %arg6[%parallel_loop3A_823, %parallel_loop3A_824], %parallel_loop3A_827 {strides = array<i32>} : memref<128x128xf32, #tpu.memory_space<vmem>>, vector<1x16xf32>,
        %parallel_loop3A_828 = arith.index_cast %parallel_loop3A_811 : i32 to index
        %parallel_loop3A_829 = arith.constant 16 : index
        %parallel_loop3A_830 = tpu.vector_load %arg6[%parallel_loop3A_828, %parallel_loop3A_829] {strides = array<i32>} : memref<128x128xf32, #tpu.memory_space<vmem>>, vector<1x16xf32>,
        %parallel_loop3A_831 = vector.shape_cast %parallel_loop3A_830 : vector<1x16xf32> to vector<16xf32>
        %parallel_loop3A_832 = arith.mulf %parallel_loop3A_831, %parallel_loop3A_817 : vector<16xf32>
        %parallel_loop3A_833 = arith.index_cast %parallel_loop3A_811 : i32 to index
        %parallel_loop3A_834 = arith.constant 16 : index
        %parallel_loop3A_835 = tpu.vector_load %arg6[%parallel_loop3A_833, %parallel_loop3A_834] {strides = array<i32>} : memref<128x128xf32, #tpu.memory_space<vmem>>, vector<1x16xf32>,
        %parallel_loop3A_836 = vector.shape_cast %parallel_loop3A_835 : vector<1x16xf32> to vector<16xf32>
        %parallel_loop3A_837 = vector.shape_cast %parallel_loop3A_832 : vector<16xf32> to vector<1x16xf32>
        tpu.vector_store %arg6[%parallel_loop3A_833, %parallel_loop3A_834], %parallel_loop3A_837 {strides = array<i32>} : memref<128x128xf32, #tpu.memory_space<vmem>>, vector<1x16xf32>,
        %parallel_loop3A_838 = arith.index_cast %parallel_loop3A_811 : i32 to index
        %parallel_loop3A_839 = arith.constant 32 : index
        %parallel_loop3A_840 = tpu.vector_load %arg6[%parallel_loop3A_838, %parallel_loop3A_839] {strides = array<i32>} : memref<128x128xf32, #tpu.memory_space<vmem>>, vector<1x16xf32>,
        %parallel_loop3A_841 = vector.shape_cast %parallel_loop3A_840 : vector<1x16xf32> to vector<16xf32>
        %parallel_loop3A_842 = arith.mulf %parallel_loop3A_841, %parallel_loop3A_817 : vector<16xf32>
        %parallel_loop3A_843 = arith.index_cast %parallel_loop3A_811 : i32 to index
        %parallel_loop3A_844 = arith.constant 32 : index
        %parallel_loop3A_845 = tpu.vector_load %arg6[%parallel_loop3A_843, %parallel_loop3A_844] {strides = array<i32>} : memref<128x128xf32, #tpu.memory_space<vmem>>, vector<1x16xf32>,
        %parallel_loop3A_846 = vector.shape_cast %parallel_loop3A_845 : vector<1x16xf32> to vector<16xf32>
        %parallel_loop3A_847 = vector.shape_cast %parallel_loop3A_842 : vector<16xf32> to vector<1x16xf32>
        tpu.vector_store %arg6[%parallel_loop3A_843, %parallel_loop3A_844], %parallel_loop3A_847 {strides = array<i32>} : memref<128x128xf32, #tpu.memory_space<vmem>>, vector<1x16xf32>,
        %parallel_loop3A_848 = arith.index_cast %parallel_loop3A_811 : i32 to index
        %parallel_loop3A_849 = arith.constant 48 : index
        %parallel_loop3A_850 = tpu.vector_load %arg6[%parallel_loop3A_848, %parallel_loop3A_849] {strides = array<i32>} : memref<128x128xf32, #tpu.memory_space<vmem>>, vector<1x16xf32>,
        %parallel_loop3A_851 = vector.shape_cast %parallel_loop3A_850 : vector<1x16xf32> to vector<16xf32>
        %parallel_loop3A_852 = arith.mulf %parallel_loop3A_851, %parallel_loop3A_817 : vector<16xf32>
        %parallel_loop3A_853 = arith.index_cast %parallel_loop3A_811 : i32 to index
        %parallel_loop3A_854 = arith.constant 48 : index
        %parallel_loop3A_855 = tpu.vector_load %arg6[%parallel_loop3A_853, %parallel_loop3A_854] {strides = array<i32>} : memref<128x128xf32, #tpu.memory_space<vmem>>, vector<1x16xf32>,
        %parallel_loop3A_856 = vector.shape_cast %parallel_loop3A_855 : vector<1x16xf32> to vector<16xf32>
        %parallel_loop3A_857 = vector.shape_cast %parallel_loop3A_852 : vector<16xf32> to vector<1x16xf32>
        tpu.vector_store %arg6[%parallel_loop3A_853, %parallel_loop3A_854], %parallel_loop3A_857 {strides = array<i32>} : memref<128x128xf32, #tpu.memory_space<vmem>>, vector<1x16xf32>,
        %parallel_loop3A_858 = arith.index_cast %parallel_loop3A_811 : i32 to index
        %parallel_loop3A_859 = arith.constant 64 : index
        %parallel_loop3A_860 = tpu.vector_load %arg6[%parallel_loop3A_858, %parallel_loop3A_859] {strides = array<i32>} : memref<128x128xf32, #tpu.memory_space<vmem>>, vector<1x16xf32>,
        %parallel_loop3A_861 = vector.shape_cast %parallel_loop3A_860 : vector<1x16xf32> to vector<16xf32>
        %parallel_loop3A_862 = arith.mulf %parallel_loop3A_861, %parallel_loop3A_817 : vector<16xf32>
        %parallel_loop3A_863 = arith.index_cast %parallel_loop3A_811 : i32 to index
        %parallel_loop3A_864 = arith.constant 64 : index
        %parallel_loop3A_865 = tpu.vector_load %arg6[%parallel_loop3A_863, %parallel_loop3A_864] {strides = array<i32>} : memref<128x128xf32, #tpu.memory_space<vmem>>, vector<1x16xf32>,
        %parallel_loop3A_866 = vector.shape_cast %parallel_loop3A_865 : vector<1x16xf32> to vector<16xf32>
        %parallel_loop3A_867 = vector.shape_cast %parallel_loop3A_862 : vector<16xf32> to vector<1x16xf32>
        tpu.vector_store %arg6[%parallel_loop3A_863, %parallel_loop3A_864], %parallel_loop3A_867 {strides = array<i32>} : memref<128x128xf32, #tpu.memory_space<vmem>>, vector<1x16xf32>,
        %parallel_loop3A_868 = arith.index_cast %parallel_loop3A_811 : i32 to index
        %parallel_loop3A_869 = arith.constant 80 : index
        %parallel_loop3A_870 = tpu.vector_load %arg6[%parallel_loop3A_868, %parallel_loop3A_869] {strides = array<i32>} : memref<128x128xf32, #tpu.memory_space<vmem>>, vector<1x16xf32>,
        %parallel_loop3A_871 = vector.shape_cast %parallel_loop3A_870 : vector<1x16xf32> to vector<16xf32>
        %parallel_loop3A_872 = arith.mulf %parallel_loop3A_871, %parallel_loop3A_817 : vector<16xf32>
        %parallel_loop3A_873 = arith.index_cast %parallel_loop3A_811 : i32 to index
        %parallel_loop3A_874 = arith.constant 80 : index
        %parallel_loop3A_875 = tpu.vector_load %arg6[%parallel_loop3A_873, %parallel_loop3A_874] {strides = array<i32>} : memref<128x128xf32, #tpu.memory_space<vmem>>, vector<1x16xf32>,
        %parallel_loop3A_876 = vector.shape_cast %parallel_loop3A_875 : vector<1x16xf32> to vector<16xf32>
        %parallel_loop3A_877 = vector.shape_cast %parallel_loop3A_872 : vector<16xf32> to vector<1x16xf32>
        tpu.vector_store %arg6[%parallel_loop3A_873, %parallel_loop3A_874], %parallel_loop3A_877 {strides = array<i32>} : memref<128x128xf32, #tpu.memory_space<vmem>>, vector<1x16xf32>,
        %parallel_loop3A_878 = arith.index_cast %parallel_loop3A_811 : i32 to index
        %parallel_loop3A_879 = arith.constant 96 : index
        %parallel_loop3A_880 = tpu.vector_load %arg6[%parallel_loop3A_878, %parallel_loop3A_879] {strides = array<i32>} : memref<128x128xf32, #tpu.memory_space<vmem>>, vector<1x16xf32>,
        %parallel_loop3A_881 = vector.shape_cast %parallel_loop3A_880 : vector<1x16xf32> to vector<16xf32>
        %parallel_loop3A_882 = arith.mulf %parallel_loop3A_881, %parallel_loop3A_817 : vector<16xf32>
        %parallel_loop3A_883 = arith.index_cast %parallel_loop3A_811 : i32 to index
        %parallel_loop3A_884 = arith.constant 96 : index
        %parallel_loop3A_885 = tpu.vector_load %arg6[%parallel_loop3A_883, %parallel_loop3A_884] {strides = array<i32>} : memref<128x128xf32, #tpu.memory_space<vmem>>, vector<1x16xf32>,
        %parallel_loop3A_886 = vector.shape_cast %parallel_loop3A_885 : vector<1x16xf32> to vector<16xf32>
        %parallel_loop3A_887 = vector.shape_cast %parallel_loop3A_882 : vector<16xf32> to vector<1x16xf32>
        tpu.vector_store %arg6[%parallel_loop3A_883, %parallel_loop3A_884], %parallel_loop3A_887 {strides = array<i32>} : memref<128x128xf32, #tpu.memory_space<vmem>>, vector<1x16xf32>,
        %parallel_loop3A_888 = arith.index_cast %parallel_loop3A_811 : i32 to index
        %parallel_loop3A_889 = arith.constant 112 : index
        %parallel_loop3A_890 = tpu.vector_load %arg6[%parallel_loop3A_888, %parallel_loop3A_889] {strides = array<i32>} : memref<128x128xf32, #tpu.memory_space<vmem>>, vector<1x16xf32>,
        %parallel_loop3A_891 = vector.shape_cast %parallel_loop3A_890 : vector<1x16xf32> to vector<16xf32>
        %parallel_loop3A_892 = arith.mulf %parallel_loop3A_891, %parallel_loop3A_817 : vector<16xf32>
        %parallel_loop3A_893 = arith.index_cast %parallel_loop3A_811 : i32 to index
        %parallel_loop3A_894 = arith.constant 112 : index
        %parallel_loop3A_895 = tpu.vector_load %arg6[%parallel_loop3A_893, %parallel_loop3A_894] {strides = array<i32>} : memref<128x128xf32, #tpu.memory_space<vmem>>, vector<1x16xf32>,
        %parallel_loop3A_896 = vector.shape_cast %parallel_loop3A_895 : vector<1x16xf32> to vector<16xf32>
        %parallel_loop3A_897 = vector.shape_cast %parallel_loop3A_892 : vector<16xf32> to vector<1x16xf32>
        tpu.vector_store %arg6[%parallel_loop3A_893, %parallel_loop3A_894], %parallel_loop3A_897 {strides = array<i32>} : memref<128x128xf32, #tpu.memory_space<vmem>>, vector<1x16xf32>,
      } {sc.loop_unroll_factor = 8 : i64, sc.parallel_access}
      "tpu.region"() ({
        %run_scoped3A = tpu.sem_alloc : memref<!tpu.dma_semaphore, #tpu.memory_space<semaphore_mem>>
        %dma_start3A = arith.constant 0 : i32
        %dma_start3A_811 = arith.constant 0 : i32
        %dma_start3A_812 = tpu.memref_slice %arg10[%dma_start3A, %dma_start3A_811] : memref<256x128xf32, #tpu.memory_space<vmem_shared>> -> memref<256x128xf32, #tpu.memory_space<vmem_shared>>
        tpu.enqueue_indirect_dma source(%arg6 : memref<128x128xf32, #tpu.memory_space<vmem>>) target(%dma_start3A_812 : memref<256x128xf32, #tpu.memory_space<vmem_shared>>) offsets(%arg8 : memref<128xi32, #tpu.memory_space<vmem>>) semaphore(%run_scoped3A : memref<!tpu.dma_semaphore, #tpu.memory_space<semaphore_mem>>) {add = true}
        %dma_wait3A = arith.constant 0 : i32
        %dma_wait3A_813 = arith.constant 0 : i32
        %dma_wait3A_814 = tpu.memref_slice %arg10[%dma_wait3A, %dma_wait3A_813] : memref<256x128xf32, #tpu.memory_space<vmem_shared>> -> memref<256x128xf32, #tpu.memory_space<vmem_shared>>
        tpu.wait_indirect_dma semaphore(%run_scoped3A : memref<!tpu.dma_semaphore, #tpu.memory_space<semaphore_mem>>) src(%arg6 : memref<128x128xf32, #tpu.memory_space<vmem>>) dst(%dma_wait3A_814 : memref<256x128xf32, #tpu.memory_space<vmem_shared>>)
        tpu.yield
      }) : () -> ()
    }
    %barrier3A_800 = arith.constant 0 : index
    tpu.barrier barrier_id(%barrier3A_800)
    %eq3A = arith.constant 0 : i32
    %eq3A_801 = arith.cmpi eq, %arg1, %eq3A : i32
    %convert_element_type3A = arith.extui %eq3A_801 : i1 to i32
    %cond3A = arith.constant 0 : i32
    %cond3A_802 = arith.cmpi ne, %convert_element_type3A, %cond3A : i32
    scf.if %cond3A_802 {
      "tpu.region"() ({
        %run_scoped3A = tpu.sem_alloc : memref<!tpu.dma_semaphore, #tpu.memory_space<semaphore_mem>>
        %dma_start3A = arith.constant 0 : i32
        %dma_start3A_803 = arith.constant 0 : i32
        %dma_start3A_804 = tpu.memref_slice %arg5[%arg0, %dma_start3A, %dma_start3A_803] : memref<2x256x128xf32, #tpu.memory_space<hbm>> -> memref<1x256x128xf32, #tpu.memory_space<hbm>>
        %dma_start3A_805 = tpu.memref_squeeze %dma_start3A_804 : memref<1x256x128xf32, #tpu.memory_space<hbm>> -> memref<256x128xf32, #tpu.memory_space<hbm>>
        tpu.enqueue_dma source(%arg10 : memref<256x128xf32, #tpu.memory_space<vmem_shared>>) target(%dma_start3A_805 : memref<256x128xf32, #tpu.memory_space<hbm>>) target_semaphore(%run_scoped3A : memref<!tpu.dma_semaphore, #tpu.memory_space<semaphore_mem>>)
        %dma_wait3A = arith.constant 0 : i32
        %dma_wait3A_806 = arith.constant 0 : i32
        %dma_wait3A_807 = tpu.memref_slice %arg5[%arg0, %dma_wait3A, %dma_wait3A_806] : memref<2x256x128xf32, #tpu.memory_space<hbm>> -> memref<1x256x128xf32, #tpu.memory_space<hbm>>
        %dma_wait3A_808 = tpu.memref_squeeze %dma_wait3A_807 : memref<1x256x128xf32, #tpu.memory_space<hbm>> -> memref<256x128xf32, #tpu.memory_space<hbm>>
        tpu.wait_dma2 semaphore(%run_scoped3A : memref<!tpu.dma_semaphore, #tpu.memory_space<semaphore_mem>>) src(%arg10 : memref<256x128xf32, #tpu.memory_space<vmem_shared>>) dst(%dma_wait3A_808 : memref<256x128xf32, #tpu.memory_space<hbm>>)
        tpu.yield
      }) : () -> ()
    } else {
    }
    return
  }
}

module attributes {stable_mosaic.version = 14 : i64} {
  func.func @_tc_scores(%arg0: i32, %arg1: memref<2000x128xf32, #tpu.memory_space<vmem>>, %arg2: memref<128x128xf32, #tpu.memory_space<vmem>>, %arg3: memref<1x128xf32, #tpu.memory_space<vmem>>, %arg4: memref<1x128xf32, #tpu.memory_space<vmem>>, %arg5: memref<1x1x2000xi32, #tpu.memory_space<vmem>>, %arg6: memref<1x1x2000xf32, #tpu.memory_space<vmem>>, %arg7: memref<256x8xf32, #tpu.memory_space<vmem>>, %arg8: memref<256x8xf32, #tpu.memory_space<vmem>>) attributes {dimension_semantics = [#tpu.dimension_semantics<arbitrary>], iteration_bounds = array<i64: 16>, scalar_prefetch = 0 : i64, scratch_operands = 1 : i64, tpu.core_type = #tpu.core_type<tc>, window_params = [{transform_indices = @transform_0, window_bounds = array<i64: 2000, 128>}, {pipeline_mode = #tpu.pipeline_mode<synchronous>, transform_indices = @transform_1, window_bounds = array<i64: 128, 128>}, {pipeline_mode = #tpu.pipeline_mode<synchronous>, transform_indices = @transform_2, window_bounds = array<i64: 1, 128>}, {pipeline_mode = #tpu.pipeline_mode<synchronous>, transform_indices = @transform_3, window_bounds = array<i64: 1, 128>}, {transform_indices = @transform_4, window_bounds = array<i64: 1, 1, 2000>}, {transform_indices = @transform_5, window_bounds = array<i64: 1, 1, 2000>}, {pipeline_mode = #tpu.pipeline_mode<synchronous>, transform_indices = @transform_6, window_bounds = array<i64: 256, 8>}]} {
    %eq3A = arith.constant 0 : i32
    %eq3A_0 = arith.cmpi eq, %arg0, %eq3A : i32
    %convert_element_type3A = arith.extui %eq3A_0 : i1 to i32
    %cond3A = arith.constant 0 : i32
    %cond3A_1 = arith.cmpi ne, %convert_element_type3A, %cond3A : i32
    scf.if %cond3A_1 {
      %broadcast_in_dim3A_52 = arith.constant 0.000000e+00 : f32
      %broadcast_in_dim3A_53 = vector.broadcast %broadcast_in_dim3A_52 : f32 to vector<256x8xf32>
      %swap3A_54 = arith.constant 0 : index
      %swap3A_55 = arith.constant 0 : index
      %swap3A_56 = vector.load %arg8[%swap3A_54, %swap3A_55] : memref<256x8xf32, #tpu.memory_space<vmem>>, vector<256x8xf32>
      tpu.vector_store %arg8[%swap3A_54, %swap3A_55], %broadcast_in_dim3A_53 {strides = array<i32>} : memref<256x8xf32, #tpu.memory_space<vmem>>, vector<256x8xf32>,
    } else {
    }
    %get3A = arith.constant 0 : index
    %get3A_2 = arith.constant 0 : index
    %get3A_3 = vector.load %arg1[%get3A, %get3A_2] : memref<2000x128xf32, #tpu.memory_space<vmem>>, vector<2000x128xf32>
    %get3A_4 = arith.constant 0 : index
    %get3A_5 = arith.constant 0 : index
    %get3A_6 = vector.load %arg2[%get3A_4, %get3A_5] : memref<128x128xf32, #tpu.memory_space<vmem>>, vector<128x128xf32>
    %dot_general3A = arith.constant dense<0.000000e+00> : vector<2000x128xf32>
    %dot_general3A_7 = tpu.matmul %get3A_3, %get3A_6, %dot_general3A {dimension_numbers = #tpu.dot_dimension_numbers<[1], [0], [0], [1], [0, 0, 1, 1], [], []>, transpose_lhs_hint = false} : vector<2000x128xf32>, vector<128x128xf32>, vector<2000x128xf32> -> vector<2000x128xf32>
    %get3A_8 = arith.constant 0 : index
    %get3A_9 = arith.constant 0 : index
    %get3A_10 = vector.load %arg3[%get3A_8, %get3A_9] : memref<1x128xf32, #tpu.memory_space<vmem>>, vector<1x128xf32>
    %add3A = vector.broadcast %get3A_10 : vector<1x128xf32> to vector<2000x128xf32>
    %add3A_11 = arith.addf %dot_general3A_7, %add3A : vector<2000x128xf32>
    %tanh3A = math.tanh %add3A_11 : vector<2000x128xf32>
    %get3A_12 = arith.constant 0 : index
    %get3A_13 = arith.constant 0 : index
    %get3A_14 = vector.load %arg4[%get3A_12, %get3A_13] : memref<1x128xf32, #tpu.memory_space<vmem>>, vector<1x128xf32>
    %dot_general3A_15 = arith.constant dense<0.000000e+00> : vector<1x2000xf32>
    %dot_general3A_16 = tpu.matmul %get3A_14, %tanh3A, %dot_general3A_15 {dimension_numbers = #tpu.dot_dimension_numbers<[1], [1], [0], [0], [0, 0, 1, 0], [], []>, transpose_lhs_hint = false} : vector<1x128xf32>, vector<2000x128xf32>, vector<1x2000xf32> -> vector<1x2000xf32>
    %get3A_17 = arith.constant 0 : index
    %get3A_18 = arith.constant 0 : index
    %get3A_19 = vector.load %arg4[%get3A_17, %get3A_18] : memref<1x128xf32, #tpu.memory_space<vmem>>, vector<1x128xf32>
    %abs3A = math.absf %get3A_19 : vector<1x128xf32>
    %reduce_sum3A = vector.shape_cast %abs3A : vector<1x128xf32> to vector<1x1x128xf32>
    %reduce_sum3A_20 = arith.constant dense<0.000000e+00> : vector<1xf32>
    %reduce_sum3A_21 = vector.multi_reduction <add>, %reduce_sum3A, %reduce_sum3A_20 [1, 2] : vector<1x1x128xf32> to vector<1xf32>
    %reduce_sum3A_22 = vector.shape_cast %reduce_sum3A_21 : vector<1xf32> to vector<1x1x1xf32>
    %reduce_sum3A_23 = vector.extract %reduce_sum3A_22[0, 0, 0] : f32 from vector<1x1x1xf32>
    %sub3A = vector.broadcast %reduce_sum3A_23 : f32 to vector<1x2000xf32>
    %sub3A_24 = arith.subf %dot_general3A_16, %sub3A : vector<1x2000xf32>
    %exp3A = math.exp %sub3A_24 : vector<1x2000xf32>
    %reshape3A = vector.shape_cast %exp3A : vector<1x2000xf32> to vector<1x1x2000xf32>
    %swap3A = arith.constant 0 : index
    %swap3A_25 = arith.constant 0 : index
    %swap3A_26 = arith.constant 0 : index
    %swap3A_27 = vector.load %arg6[%swap3A, %swap3A_25, %swap3A_26] : memref<1x1x2000xf32, #tpu.memory_space<vmem>>, vector<1x1x2000xf32>
    tpu.vector_store %arg6[%swap3A, %swap3A_25, %swap3A_26], %reshape3A {strides = array<i32>} : memref<1x1x2000xf32, #tpu.memory_space<vmem>>, vector<1x1x2000xf32>,
    %get3A_28 = arith.constant 0 : index
    %get3A_29 = arith.constant 0 : index
    %get3A_30 = arith.constant 0 : index
    %get3A_31 = vector.load %arg5[%get3A_28, %get3A_29, %get3A_30] : memref<1x1x2000xi32, #tpu.memory_space<vmem>>, vector<1x1x2000xi32>
    %reshape3A_32 = vector.shape_cast %get3A_31 : vector<1x1x2000xi32> to vector<1x2000xi32>
    %iota3A = tpu.iota {dimensions = array<i32: 0>} : vector<256x2000xi32>
    %eq3A_33 = vector.broadcast %reshape3A_32 : vector<1x2000xi32> to vector<256x2000xi32>
    %eq3A_34 = arith.cmpi eq, %eq3A_33, %iota3A : vector<256x2000xi32>
    %jit3A = arith.constant 0.000000e+00 : f32
    %broadcast_in_dim3A = vector.shape_cast %exp3A : vector<1x2000xf32> to vector<1x2000xf32>
    %broadcast_in_dim3A_35 = vector.broadcast %broadcast_in_dim3A : vector<1x2000xf32> to vector<256x2000xf32>
    %broadcast_in_dim3A_36 = vector.broadcast %jit3A : f32 to vector<256x2000xf32>
    %select_n3A = arith.select %eq3A_34, %broadcast_in_dim3A_35, %broadcast_in_dim3A_36 : vector<256x2000xi1>, vector<256x2000xf32>
    %get3A_37 = arith.constant 0 : index
    %get3A_38 = arith.constant 0 : index
    %get3A_39 = vector.load %arg8[%get3A_37, %get3A_38] : memref<256x8xf32, #tpu.memory_space<vmem>>, vector<256x1xf32>
    %reduce_sum3A_40 = arith.constant dense<0.000000e+00> : vector<256xf32>
    %reduce_sum3A_41 = vector.multi_reduction <add>, %select_n3A, %reduce_sum3A_40 [1] : vector<256x2000xf32> to vector<256xf32>
    %broadcast_in_dim3A_42 = vector.shape_cast %reduce_sum3A_41 : vector<256xf32> to vector<256x1xf32>
    %add3A_43 = arith.addf %get3A_39, %broadcast_in_dim3A_42 : vector<256x1xf32>
    %swap3A_44 = arith.constant 0 : index
    %swap3A_45 = arith.constant 0 : index
    %swap3A_46 = vector.load %arg8[%swap3A_44, %swap3A_45] : memref<256x8xf32, #tpu.memory_space<vmem>>, vector<256x1xf32>
    tpu.vector_store %arg8[%swap3A_44, %swap3A_45], %add3A_43 {strides = array<i32>} : memref<256x8xf32, #tpu.memory_space<vmem>>, vector<256x1xf32>,
    %eq3A_47 = arith.constant 15 : i32
    %eq3A_48 = arith.cmpi eq, %arg0, %eq3A_47 : i32
    %convert_element_type3A_49 = arith.extui %eq3A_48 : i1 to i32
    %cond3A_50 = arith.constant 0 : i32
    %cond3A_51 = arith.cmpi ne, %convert_element_type3A_49, %cond3A_50 : i32
    scf.if %cond3A_51 {
      %get3A_52 = arith.constant 0 : index
      %get3A_53 = arith.constant 0 : index
      %get3A_54 = vector.load %arg8[%get3A_52, %get3A_53] : memref<256x8xf32, #tpu.memory_space<vmem>>, vector<256x8xf32>
      %swap3A_55 = arith.constant 0 : index
      %swap3A_56 = arith.constant 0 : index
      %swap3A_57 = vector.load %arg7[%swap3A_55, %swap3A_56] : memref<256x8xf32, #tpu.memory_space<vmem>>, vector<256x8xf32>
      tpu.vector_store %arg7[%swap3A_55, %swap3A_56], %get3A_54 {strides = array<i32>} : memref<256x8xf32, #tpu.memory_space<vmem>>, vector<256x8xf32>,
    } else {
    }
    return
  }
  func.func @transform_0(%arg0: i32) -> (i32, i32) {
    %c0_i32 = arith.constant 0 : i32
    %c0_i32_0 = arith.constant 0 : i32
    return %arg0, %c0_i32 : i32, i32
  }
  func.func @transform_1(%arg0: i32) -> (i32, i32) {
    %c0_i32 = arith.constant 0 : i32
    %c0_i32_0 = arith.constant 0 : i32
    %c0_i32_1 = arith.constant 0 : i32
    return %c0_i32, %c0_i32_0 : i32, i32
  }
  func.func @transform_2(%arg0: i32) -> (i32, i32) {
    %c0_i32 = arith.constant 0 : i32
    %c0_i32_0 = arith.constant 0 : i32
    %c0_i32_1 = arith.constant 0 : i32
    return %c0_i32, %c0_i32_0 : i32, i32
  }
  func.func @transform_3(%arg0: i32) -> (i32, i32) {
    %c0_i32 = arith.constant 0 : i32
    %c0_i32_0 = arith.constant 0 : i32
    %c0_i32_1 = arith.constant 0 : i32
    return %c0_i32, %c0_i32_0 : i32, i32
  }
  func.func @transform_4(%arg0: i32) -> (i32, i32, i32) {
    %c0_i32 = arith.constant 0 : i32
    %c0_i32_0 = arith.constant 0 : i32
    %c0_i32_1 = arith.constant 0 : i32
    return %arg0, %c0_i32, %c0_i32_0 : i32, i32, i32
  }
  func.func @transform_5(%arg0: i32) -> (i32, i32, i32) {
    %c0_i32 = arith.constant 0 : i32
    %c0_i32_0 = arith.constant 0 : i32
    %c0_i32_1 = arith.constant 0 : i32
    return %arg0, %c0_i32, %c0_i32_0 : i32, i32, i32
  }
  func.func @transform_6(%arg0: i32) -> (i32, i32) {
    %c0_i32 = arith.constant 0 : i32
    %c0_i32_0 = arith.constant 0 : i32
    %c0_i32_1 = arith.constant 0 : i32
    return %c0_i32, %c0_i32_0 : i32, i32
  }
}

module attributes {stable_mosaic.version = 14 : i64} {
  func.func @_tc_pool(%arg0: i32, %arg1: memref<2000x128xf32, #tpu.memory_space<vmem>>, %arg2: memref<128x128xf32, #tpu.memory_space<vmem>>, %arg3: memref<1x128xf32, #tpu.memory_space<vmem>>, %arg4: memref<1x128xf32, #tpu.memory_space<vmem>>, %arg5: memref<1x1x2000xi32, #tpu.memory_space<vmem>>, %arg6: memref<256x128xf32, #tpu.memory_space<vmem>>, %arg7: memref<256x8xf32, #tpu.memory_space<vmem>>, %arg8: memref<256x128xf32, #tpu.memory_space<vmem>>, %arg9: memref<256x8xf32, #tpu.memory_space<vmem>>) attributes {dimension_semantics = [#tpu.dimension_semantics<arbitrary>], iteration_bounds = array<i64: 34>, scalar_prefetch = 0 : i64, scratch_operands = 2 : i64, tpu.core_type = #tpu.core_type<tc>, window_params = [{transform_indices = @transform_0, window_bounds = array<i64: 2000, 128>}, {pipeline_mode = #tpu.pipeline_mode<synchronous>, transform_indices = @transform_1, window_bounds = array<i64: 128, 128>}, {pipeline_mode = #tpu.pipeline_mode<synchronous>, transform_indices = @transform_2, window_bounds = array<i64: 1, 128>}, {pipeline_mode = #tpu.pipeline_mode<synchronous>, transform_indices = @transform_3, window_bounds = array<i64: 1, 128>}, {transform_indices = @transform_4, window_bounds = array<i64: 1, 1, 2000>}, {pipeline_mode = #tpu.pipeline_mode<synchronous>, transform_indices = @transform_5, window_bounds = array<i64: 256, 128>}, {pipeline_mode = #tpu.pipeline_mode<synchronous>, transform_indices = @transform_6, window_bounds = array<i64: 256, 8>}]} {
    %eq3A = arith.constant 0 : i32
    %eq3A_0 = arith.cmpi eq, %arg0, %eq3A : i32
    %convert_element_type3A = arith.extui %eq3A_0 : i1 to i32
    %cond3A = arith.constant 0 : i32
    %cond3A_1 = arith.cmpi ne, %convert_element_type3A, %cond3A : i32
    scf.if %cond3A_1 {
      %broadcast_in_dim3A_56 = arith.constant 0.000000e+00 : f32
      %broadcast_in_dim3A_57 = vector.broadcast %broadcast_in_dim3A_56 : f32 to vector<256x128xf32>
      %swap3A_58 = arith.constant 0 : index
      %swap3A_59 = arith.constant 0 : index
      %swap3A_60 = vector.load %arg8[%swap3A_58, %swap3A_59] : memref<256x128xf32, #tpu.memory_space<vmem>>, vector<256x128xf32>
      tpu.vector_store %arg8[%swap3A_58, %swap3A_59], %broadcast_in_dim3A_57 {strides = array<i32>} : memref<256x128xf32, #tpu.memory_space<vmem>>, vector<256x128xf32>,
      %broadcast_in_dim3A_61 = arith.constant 0.000000e+00 : f32
      %broadcast_in_dim3A_62 = vector.broadcast %broadcast_in_dim3A_61 : f32 to vector<256x8xf32>
      %swap3A_63 = arith.constant 0 : index
      %swap3A_64 = arith.constant 0 : index
      %swap3A_65 = vector.load %arg9[%swap3A_63, %swap3A_64] : memref<256x8xf32, #tpu.memory_space<vmem>>, vector<256x8xf32>
      tpu.vector_store %arg9[%swap3A_63, %swap3A_64], %broadcast_in_dim3A_62 {strides = array<i32>} : memref<256x8xf32, #tpu.memory_space<vmem>>, vector<256x8xf32>,
    } else {
    }
    %get3A = arith.constant 0 : index
    %get3A_2 = arith.constant 0 : index
    %get3A_3 = vector.load %arg1[%get3A, %get3A_2] : memref<2000x128xf32, #tpu.memory_space<vmem>>, vector<2000x128xf32>
    %get3A_4 = arith.constant 0 : index
    %get3A_5 = arith.constant 0 : index
    %get3A_6 = vector.load %arg2[%get3A_4, %get3A_5] : memref<128x128xf32, #tpu.memory_space<vmem>>, vector<128x128xf32>
    %dot_general3A = arith.constant dense<0.000000e+00> : vector<2000x128xf32>
    %dot_general3A_7 = tpu.matmul %get3A_3, %get3A_6, %dot_general3A {dimension_numbers = #tpu.dot_dimension_numbers<[1], [0], [0], [1], [0, 0, 1, 1], [], []>, transpose_lhs_hint = false} : vector<2000x128xf32>, vector<128x128xf32>, vector<2000x128xf32> -> vector<2000x128xf32>
    %get3A_8 = arith.constant 0 : index
    %get3A_9 = arith.constant 0 : index
    %get3A_10 = vector.load %arg3[%get3A_8, %get3A_9] : memref<1x128xf32, #tpu.memory_space<vmem>>, vector<1x128xf32>
    %add3A = vector.broadcast %get3A_10 : vector<1x128xf32> to vector<2000x128xf32>
    %add3A_11 = arith.addf %dot_general3A_7, %add3A : vector<2000x128xf32>
    %tanh3A = math.tanh %add3A_11 : vector<2000x128xf32>
    %get3A_12 = arith.constant 0 : index
    %get3A_13 = arith.constant 0 : index
    %get3A_14 = vector.load %arg4[%get3A_12, %get3A_13] : memref<1x128xf32, #tpu.memory_space<vmem>>, vector<1x128xf32>
    %dot_general3A_15 = arith.constant dense<0.000000e+00> : vector<1x2000xf32>
    %dot_general3A_16 = tpu.matmul %get3A_14, %tanh3A, %dot_general3A_15 {dimension_numbers = #tpu.dot_dimension_numbers<[1], [1], [0], [0], [0, 0, 1, 0], [], []>, transpose_lhs_hint = false} : vector<1x128xf32>, vector<2000x128xf32>, vector<1x2000xf32> -> vector<1x2000xf32>
    %get3A_17 = arith.constant 0 : index
    %get3A_18 = arith.constant 0 : index
    %get3A_19 = vector.load %arg4[%get3A_17, %get3A_18] : memref<1x128xf32, #tpu.memory_space<vmem>>, vector<1x128xf32>
    %abs3A = math.absf %get3A_19 : vector<1x128xf32>
    %reduce_sum3A = vector.shape_cast %abs3A : vector<1x128xf32> to vector<1x1x128xf32>
    %reduce_sum3A_20 = arith.constant dense<0.000000e+00> : vector<1xf32>
    %reduce_sum3A_21 = vector.multi_reduction <add>, %reduce_sum3A, %reduce_sum3A_20 [1, 2] : vector<1x1x128xf32> to vector<1xf32>
    %reduce_sum3A_22 = vector.shape_cast %reduce_sum3A_21 : vector<1xf32> to vector<1x1x1xf32>
    %reduce_sum3A_23 = vector.extract %reduce_sum3A_22[0, 0, 0] : f32 from vector<1x1x1xf32>
    %sub3A = vector.broadcast %reduce_sum3A_23 : f32 to vector<1x2000xf32>
    %sub3A_24 = arith.subf %dot_general3A_16, %sub3A : vector<1x2000xf32>
    %exp3A = math.exp %sub3A_24 : vector<1x2000xf32>
    %get3A_25 = arith.constant 0 : index
    %get3A_26 = arith.constant 0 : index
    %get3A_27 = arith.constant 0 : index
    %get3A_28 = vector.load %arg5[%get3A_25, %get3A_26, %get3A_27] : memref<1x1x2000xi32, #tpu.memory_space<vmem>>, vector<1x1x2000xi32>
    %reshape3A = vector.shape_cast %get3A_28 : vector<1x1x2000xi32> to vector<1x2000xi32>
    %iota3A = tpu.iota {dimensions = array<i32: 0>} : vector<256x2000xi32>
    %eq3A_29 = vector.broadcast %reshape3A : vector<1x2000xi32> to vector<256x2000xi32>
    %eq3A_30 = arith.cmpi eq, %eq3A_29, %iota3A : vector<256x2000xi32>
    %jit3A = arith.constant 0.000000e+00 : f32
    %broadcast_in_dim3A = vector.shape_cast %exp3A : vector<1x2000xf32> to vector<1x2000xf32>
    %broadcast_in_dim3A_31 = vector.broadcast %broadcast_in_dim3A : vector<1x2000xf32> to vector<256x2000xf32>
    %broadcast_in_dim3A_32 = vector.broadcast %jit3A : f32 to vector<256x2000xf32>
    %select_n3A = arith.select %eq3A_30, %broadcast_in_dim3A_31, %broadcast_in_dim3A_32 : vector<256x2000xi1>, vector<256x2000xf32>
    %get3A_33 = arith.constant 0 : index
    %get3A_34 = arith.constant 0 : index
    %get3A_35 = vector.load %arg8[%get3A_33, %get3A_34] : memref<256x128xf32, #tpu.memory_space<vmem>>, vector<256x128xf32>
    %dot_general3A_36 = arith.constant dense<0.000000e+00> : vector<256x128xf32>
    %dot_general3A_37 = tpu.matmul %select_n3A, %get3A_3, %dot_general3A_36 {dimension_numbers = #tpu.dot_dimension_numbers<[1], [0], [0], [1], [0, 0, 1, 1], [], []>, transpose_lhs_hint = false} : vector<256x2000xf32>, vector<2000x128xf32>, vector<256x128xf32> -> vector<256x128xf32>
    %add3A_38 = arith.addf %get3A_35, %dot_general3A_37 : vector<256x128xf32>
    %swap3A = arith.constant 0 : index
    %swap3A_39 = arith.constant 0 : index
    %swap3A_40 = vector.load %arg8[%swap3A, %swap3A_39] : memref<256x128xf32, #tpu.memory_space<vmem>>, vector<256x128xf32>
    tpu.vector_store %arg8[%swap3A, %swap3A_39], %add3A_38 {strides = array<i32>} : memref<256x128xf32, #tpu.memory_space<vmem>>, vector<256x128xf32>,
    %get3A_41 = arith.constant 0 : index
    %get3A_42 = arith.constant 0 : index
    %get3A_43 = vector.load %arg9[%get3A_41, %get3A_42] : memref<256x8xf32, #tpu.memory_space<vmem>>, vector<256x1xf32>
    %reduce_sum3A_44 = arith.constant dense<0.000000e+00> : vector<256xf32>
    %reduce_sum3A_45 = vector.multi_reduction <add>, %select_n3A, %reduce_sum3A_44 [1] : vector<256x2000xf32> to vector<256xf32>
    %broadcast_in_dim3A_46 = vector.shape_cast %reduce_sum3A_45 : vector<256xf32> to vector<256x1xf32>
    %add3A_47 = arith.addf %get3A_43, %broadcast_in_dim3A_46 : vector<256x1xf32>
    %swap3A_48 = arith.constant 0 : index
    %swap3A_49 = arith.constant 0 : index
    %swap3A_50 = vector.load %arg9[%swap3A_48, %swap3A_49] : memref<256x8xf32, #tpu.memory_space<vmem>>, vector<256x1xf32>
    tpu.vector_store %arg9[%swap3A_48, %swap3A_49], %add3A_47 {strides = array<i32>} : memref<256x8xf32, #tpu.memory_space<vmem>>, vector<256x1xf32>,
    %eq3A_51 = arith.constant 33 : i32
    %eq3A_52 = arith.cmpi eq, %arg0, %eq3A_51 : i32
    %convert_element_type3A_53 = arith.extui %eq3A_52 : i1 to i32
    %cond3A_54 = arith.constant 0 : i32
    %cond3A_55 = arith.cmpi ne, %convert_element_type3A_53, %cond3A_54 : i32
    scf.if %cond3A_55 {
      %get3A_56 = arith.constant 0 : index
      %get3A_57 = arith.constant 0 : index
      %get3A_58 = vector.load %arg8[%get3A_56, %get3A_57] : memref<256x128xf32, #tpu.memory_space<vmem>>, vector<256x128xf32>
      %swap3A_59 = arith.constant 0 : index
      %swap3A_60 = arith.constant 0 : index
      %swap3A_61 = vector.load %arg6[%swap3A_59, %swap3A_60] : memref<256x128xf32, #tpu.memory_space<vmem>>, vector<256x128xf32>
      tpu.vector_store %arg6[%swap3A_59, %swap3A_60], %get3A_58 {strides = array<i32>} : memref<256x128xf32, #tpu.memory_space<vmem>>, vector<256x128xf32>,
      %get3A_62 = arith.constant 0 : index
      %get3A_63 = arith.constant 0 : index
      %get3A_64 = vector.load %arg9[%get3A_62, %get3A_63] : memref<256x8xf32, #tpu.memory_space<vmem>>, vector<256x8xf32>
      %swap3A_65 = arith.constant 0 : index
      %swap3A_66 = arith.constant 0 : index
      %swap3A_67 = vector.load %arg7[%swap3A_65, %swap3A_66] : memref<256x8xf32, #tpu.memory_space<vmem>>, vector<256x8xf32>
      tpu.vector_store %arg7[%swap3A_65, %swap3A_66], %get3A_64 {strides = array<i32>} : memref<256x8xf32, #tpu.memory_space<vmem>>, vector<256x8xf32>,
    } else {
    }
    return
  }
  func.func @transform_0(%arg0: i32) -> (i32, i32) {
    %add3A = arith.constant 16 : i32
    %add3A_0 = arith.addi %arg0, %add3A : i32
    %c0_i32 = arith.constant 0 : i32
    %c0_i32_1 = arith.constant 0 : i32
    return %add3A_0, %c0_i32 : i32, i32
  }
  func.func @transform_1(%arg0: i32) -> (i32, i32) {
    %c0_i32 = arith.constant 0 : i32
    %c0_i32_0 = arith.constant 0 : i32
    %c0_i32_1 = arith.constant 0 : i32
    return %c0_i32, %c0_i32_0 : i32, i32
  }
  func.func @transform_2(%arg0: i32) -> (i32, i32) {
    %c0_i32 = arith.constant 0 : i32
    %c0_i32_0 = arith.constant 0 : i32
    %c0_i32_1 = arith.constant 0 : i32
    return %c0_i32, %c0_i32_0 : i32, i32
  }
  func.func @transform_3(%arg0: i32) -> (i32, i32) {
    %c0_i32 = arith.constant 0 : i32
    %c0_i32_0 = arith.constant 0 : i32
    %c0_i32_1 = arith.constant 0 : i32
    return %c0_i32, %c0_i32_0 : i32, i32
  }
  func.func @transform_4(%arg0: i32) -> (i32, i32, i32) {
    %add3A = arith.constant 16 : i32
    %add3A_0 = arith.addi %arg0, %add3A : i32
    %c0_i32 = arith.constant 0 : i32
    %c0_i32_1 = arith.constant 0 : i32
    %c0_i32_2 = arith.constant 0 : i32
    return %add3A_0, %c0_i32, %c0_i32_1 : i32, i32, i32
  }
  func.func @transform_5(%arg0: i32) -> (i32, i32) {
    %c0_i32 = arith.constant 0 : i32
    %c0_i32_0 = arith.constant 0 : i32
    %c0_i32_1 = arith.constant 0 : i32
    return %c0_i32, %c0_i32_0 : i32, i32
  }
  func.func @transform_6(%arg0: i32) -> (i32, i32) {
    %c0_i32 = arith.constant 0 : i32
    %c0_i32_0 = arith.constant 0 : i32
    %c0_i32_1 = arith.constant 0 : i32
    return %c0_i32, %c0_i32_0 : i32, i32
  }
}

module attributes {stable_mosaic.version = 14 : i64} {
  func.func @_tc_finish(%arg0: memref<2x256x128xf32, #tpu.memory_space<vmem>>, %arg1: memref<256x128xf32, #tpu.memory_space<vmem>>, %arg2: memref<256x8xf32, #tpu.memory_space<vmem>>, %arg3: memref<256x8xf32, #tpu.memory_space<vmem>>, %arg4: memref<256x128xf32, #tpu.memory_space<vmem>>) attributes {dimension_semantics = [], scalar_prefetch = 0 : i64, scratch_operands = 0 : i64, tpu.core_type = #tpu.core_type<tc>} {
    %get3A = arith.constant 0 : index
    %get3A_0 = arith.constant 0 : index
    %get3A_1 = arith.constant 0 : index
    %get3A_2 = vector.load %arg0[%get3A, %get3A_0, %get3A_1] : memref<2x256x128xf32, #tpu.memory_space<vmem>>, vector<1x256x128xf32>
    %get3A_3 = vector.shape_cast %get3A_2 : vector<1x256x128xf32> to vector<256x128xf32>
    %get3A_4 = arith.constant 1 : index
    %get3A_5 = arith.constant 0 : index
    %get3A_6 = arith.constant 0 : index
    %get3A_7 = vector.load %arg0[%get3A_4, %get3A_5, %get3A_6] : memref<2x256x128xf32, #tpu.memory_space<vmem>>, vector<1x256x128xf32>
    %get3A_8 = vector.shape_cast %get3A_7 : vector<1x256x128xf32> to vector<256x128xf32>
    %add3A = arith.addf %get3A_3, %get3A_8 : vector<256x128xf32>
    %get3A_9 = arith.constant 0 : index
    %get3A_10 = arith.constant 0 : index
    %get3A_11 = vector.load %arg1[%get3A_9, %get3A_10] : memref<256x128xf32, #tpu.memory_space<vmem>>, vector<256x128xf32>
    %add3A_12 = arith.addf %add3A, %get3A_11 : vector<256x128xf32>
    %get3A_13 = arith.constant 0 : index
    %get3A_14 = arith.constant 0 : index
    %get3A_15 = vector.load %arg2[%get3A_13, %get3A_14] : memref<256x8xf32, #tpu.memory_space<vmem>>, vector<256x1xf32>
    %get3A_16 = arith.constant 0 : index
    %get3A_17 = arith.constant 0 : index
    %get3A_18 = vector.load %arg3[%get3A_16, %get3A_17] : memref<256x8xf32, #tpu.memory_space<vmem>>, vector<256x1xf32>
    %add3A_19 = arith.addf %get3A_15, %get3A_18 : vector<256x1xf32>
    %add3A_20 = arith.constant 1.000000e-16 : f32
    %add3A_21 = vector.broadcast %add3A_20 : f32 to vector<256x1xf32>
    %add3A_22 = arith.addf %add3A_19, %add3A_21 : vector<256x1xf32>
    %div3A = vector.broadcast %add3A_22 : vector<256x1xf32> to vector<256x128xf32>
    %div3A_23 = arith.divf %add3A_12, %div3A : vector<256x128xf32>
    %swap3A = arith.constant 0 : index
    %swap3A_24 = arith.constant 0 : index
    %swap3A_25 = vector.load %arg4[%swap3A, %swap3A_24] : memref<256x128xf32, #tpu.memory_space<vmem>>, vector<256x128xf32>
    tpu.vector_store %arg4[%swap3A, %swap3A_24], %div3A_23 {strides = array<i32>} : memref<256x128xf32, #tpu.memory_space<vmem>>, vector<256x128xf32>,
    return
  }
}

</mosaic_0001>

<sc_bundles>
// kernel: kernel.6.cloned.1.call-start
scs
__scs_entry_jumppad:
0x0: {  	(pc) =	sbr.rel $0x88, $3  }
0x1: {  	(tag) =	ssettag $0x0;
	lr =	simm.s32 $0x1  }
0x2: {  	[smem:$0x3F9C] =	sst lr;
	_ =	strace $0xD0000000  }
0x3: {  	_ = 	snop  }
0x4: {  	_ = 	snop  }
0x5: {  	_ = 	snop  }
0x6: {  	_ = 	snop  }
0x7: {  	_ = 	snop  }
__scs_overlays_trampoline_lowered:
0x8: {  	[smem:$0x3FAB] =	sst s0  }
0x9: {  	[smem:$0x3FAC] =	sst s1  }
0xa: {  	[smem:$0x3FAD] =	sst s2  }
0xb: {  	[smem:$0x3FAE] =	sst s3  }
0xc: {  	[smem:$0x3FAF] =	sst s4  }
0xd: {  	[smem:$0x3FB0] =	sst s5  }
0xe: {  	[smem:$0x3FB1] =	sst s6  }
0xf: {  	[smem:$0x3FB2] =	sst s7  }
0x10: {  	[smem:$0x3FB3] =	sst s8  }
0x11: {  	[smem:$0x3FB4] =	sst s9;
	s0 =	simm.s32 @!p0 $0x0  }
0x12: {  	s1 =	sld [smem:$0x3F9A];
	s0 =	simm.s32 @p0 $0x1  }
0x13: {  	[smem:$0x3FB5] =	sst s0;
	s0 =	simm.s32 @!p1 $0x0  }
0x14: {  	s2 =	sld [smem:$0x3F99];
	s0 =	simm.s32 @p1 $0x1  }
0x15: {  	[smem:$0x3FB6] =	sst s0;
	s0 =	simm.s32 @!p2 $0x0  }
0x16: {  	s3 =	sld [smem:$0x3FDB];
	s0 =	simm.s32 @p2 $0x1  }
0x17: {  	s4 =	simm.s32 $0x1BF5;
	[smem:$0x3FB8] =	sst s0  }
0x18: {  	s0 =	sld [smem:$0x3F9B];
	_ =	swait.ge [sflag:s4], $0x0  }
0x19: {  	s7 =	sld [smem:$0x3F9C]  }
0x1a: {  	s8 =	sadd.s32 $0xFFFFE003, lr  }
0x1b: {  	s9 =	sadd.s32 $0xFFFFFEF7, lr;
	s5 =	simm.s32 $0xFFFFFFFF;
	p2 =	slt.u32 s8, $0xFFFFF086  }
0x1c: {  	p1 =	slt.u32 s9, $0xF7A;
	s5 =	simm.s32 @!p2 $0x0  }
0x1d: {  	s5 =	simm.s32 @p1 $0x1;
	p0 =	seq.s32 s7, s2  }
0x1e: {  	s7 =	smul.u32 @!p0 $0xF7A, s2;
	p2 =	seq.s32 @!p0 s5, $0x0  }
0x1f: {  	s9 =	smul.u32 $0xF7A, s1;
	s8 =	simm.s32 @!p0 $0x1BF5;
	p2 =	por !p2, p0  }
0x20: {  	[sflag:s8] =	ssyncset.s32 @!p0 $0xFFFFF086;
	s6 =	sadd.s32 @!p0 s3, s7;
	s7 =	simm.s32 @!p0 $0x108  }
0x21: {  	s3 =	sadd.s32 s3, s9;
	s6 =	sadd.s32 @!p0 $0x88, s6;
	s7 =	simm.s32 @p2 $0x1082  }
0x22: {  	[simem:s7], [sflag:s8] =	dma.local @!p0 [hbm:s6], $0xF7A  }
0x23: {  	s9 =	sor.u32 $0xD0000000, s2;
	s6 =	simm.s32 $0x108;
	_ =	swait.ge @!p0 [sflag:s8], $0x0  }
0x24: {  	s3 =	sadd.s32 $0x88, s3;
	s6 =	simm.s32 @!p1 $0x1082;
	[sflag:s4] =	ssyncset.s32 $0xFFFFF086  }
0x25: {  	[simem:s6], [sflag:s4] =	dma.local [hbm:s3], $0xF7A  }
0x26: {  	[smem:$0x3F9C] =	sst s1;
	(tag) =	ssettag s2;
	_ =	strace s9  }
0x27: {  	s1 =	sld [smem:$0x3FAC]  }
0x28: {  	s2 =	sld [smem:$0x3FAD]  }
0x29: {  	s4 =	sld [smem:$0x3FAF]  }
0x2a: {  	p0 =	seq.s32 s5, $0x0;
	s5 =	sld [smem:$0x3FB0]  }
0x2b: {  	s6 =	sld [smem:$0x3FB1]  }
0x2c: {  	s7 =	sld [smem:$0x3FB2]  }
0x2d: {  	s3 =	simm.s32 $0x108;
	s8 =	sld [smem:$0x3FB3]  }
0x2e: {  	s3 =	simm.s32 @!p0 $0x1082;
	s9 =	sld [smem:$0x3FB4]  }
0x2f: {  	lr =	sadd.s32 s0, s3;
	s0 =	sld [smem:$0x3FAB]  }
0x30: {  	s3 =	sld [smem:$0x3FAE]  }
0x31: {  	[smem:$0x3FB7] =	sst s10  }
0x32: {  	s10 =	sld [smem:$0x3FB5];
	_ =	sdelay $0x3  }
0x33: {  	p0 =	seq.s32 s10, $0x1;
	s10 =	sld [smem:$0x3FB7];
	_ =	sdelay $0x3  }
0x34: {  	[smem:$0x3FB7] =	sst s10  }
0x35: {  	s10 =	sld [smem:$0x3FB6];
	_ =	sdelay $0x3  }
0x36: {  	p1 =	seq.s32 s10, $0x1;
	s10 =	sld [smem:$0x3FB7];
	_ =	sdelay $0x3  }
0x37: {  	[smem:$0x3FB7] =	sst s10  }
0x38: {  	s10 =	sld [smem:$0x3FB8]  }
0x39: {  	_ = 	snop;
	(pc) =	sbr.ind lr, $3  }
0x3a: {  	_ = 	snop  }
0x3b: {  	_ = 	snop  }
0x3c: {  	p2 =	seq.s32 s10, $0x1;
	s10 =	sld [smem:$0x3FB7]  }
0x3d: {  	_ =	shalt  }
0x3e: {  	_ =	shalt  }
0x3f: {  	_ =	shalt  }
0x40: {  	_ =	shalt  }
0x41: {  	_ =	shalt  }
0x42: {  	_ =	shalt  }
0x43: {  	_ =	shalt  }
0x44: {  	_ =	shalt  }
0x45: {  	_ =	shalt  }
0x46: {  	_ =	shalt  }
0x47: {  	_ =	shalt  }
0x48: {  	_ =	shalt  }
0x49: {  	_ =	shalt  }
0x4a: {  	_ =	shalt  }
0x4b: {  	_ =	shalt  }
0x4c: {  	_ =	shalt  }
0x4d: {  	_ =	shalt  }
0x4e: {  	_ =	shalt  }
0x4f: {  	_ =	shalt  }
0x50: {  	_ =	shalt  }
0x51: {  	_ =	shalt  }
0x52: {  	_ =	shalt  }
0x53: {  	_ =	shalt  }
0x54: {  	_ =	shalt  }
0x55: {  	_ =	shalt  }
0x56: {  	_ =	shalt  }
0x57: {  	_ =	shalt  }
0x58: {  	_ =	shalt  }
0x59: {  	_ =	shalt  }
0x5a: {  	_ =	shalt  }
0x5b: {  	_ =	shalt  }
0x5c: {  	_ =	shalt  }
0x5d: {  	_ =	shalt  }
0x5e: {  	_ =	shalt  }
0x5f: {  	_ =	shalt  }
0x60: {  	_ =	shalt  }
0x61: {  	_ =	shalt  }
0x62: {  	_ =	shalt  }
0x63: {  	_ =	shalt  }
0x64: {  	_ =	shalt  }
0x65: {  	_ =	shalt  }
0x66: {  	_ =	shalt  }
0x67: {  	_ =	shalt  }
0x68: {  	_ =	shalt  }
0x69: {  	_ =	shalt  }
0x6a: {  	_ =	shalt  }
0x6b: {  	_ =	shalt  }
0x6c: {  	_ =	shalt  }
0x6d: {  	_ =	shalt  }
0x6e: {  	_ =	shalt  }
0x6f: {  	_ =	shalt  }
0x70: {  	_ =	shalt  }
0x71: {  	_ =	shalt  }
0x72: {  	_ =	shalt  }
0x73: {  	_ =	shalt  }
0x74: {  	_ =	shalt  }
0x75: {  	_ =	shalt  }
0x76: {  	_ =	shalt  }
0x77: {  	_ =	shalt  }
0x78: {  	_ =	shalt  }
0x79: {  	_ =	shalt  }
0x7a: {  	_ =	shalt  }
0x7b: {  	_ =	shalt  }
0x7c: {  	_ =	shalt  }
0x7d: {  	_ =	shalt  }
0x7e: {  	_ =	shalt  }
0x7f: {  	_ =	shalt  }
0x80: {  	_ =	shalt  }
0x81: {  	_ =	shalt  }
0x82: {  	_ =	shalt  }
0x83: {  	_ =	shalt  }
0x84: {  	_ =	shalt  }
0x85: {  	_ =	shalt  }
0x86: {  	_ =	shalt  }
0x87: {  	_ =	shalt  }
.Lfunc_end0:
.L_simem_size_0:
called_computation_lowered:
.L_overlay_start_0:
0x88: {  	s2 =	sld [smem:$0x3FD9]  }
0x89: {  	s3 =	sld [smem:$0x3FFE];
	_ =	sdelay $0x1  }
0x8a: {  	s1 =	srdreg.scid  }
0x8b: {  	s0 =	sand.u32 $0x1, s1  }
0x8c: {  	s17 =	sshll.u32 s0, $0xA;
	s2 =	sadd.s32 s3, s2  }
0x8d: {  	s2 =	sadd.s32 s2, s17  }
0x8e: {  	[smem:$0x3FC3] =	sst s2  }
0x8f: {  	_ = 	snop  }
0x90: {  	s2 =	sld [smem:$0x3FC9]  }
0x91: {  	s18 =	sld [smem:$0x3FC5]  }
0x92: {  	s4 =	sld [smem:$0x3FD0];
	(tm) =	ssettm $0x1  }
0x93: {  	s5 =	sld [smem:$0x3FFB];
	_ =	sdelay $0x3  }
0x94: {  	_ =	strace s5  }
0x95: {  	s5 =	sld [smem:$0x3FFC];
	_ =	sdelay $0x3  }
0x96: {  	_ =	strace s5  }
0x97: {  	s5 =	sld [smem:$0x3FFD];
	_ =	sdelay $0x3  }
0x98: {  	_ =	strace s5  }
0x99: {  	_ =	strace $0x8FFFFFFF  }
0x9a: {  	s19 =	sld [smem:$0x3FDB];
	_ =	sdelay $0x1  }
0x9b: {  	s6 =	simm.s32 $_scs_section_size  }
0x9c: {  	s7 =	simm.s32 $_size__tile_overlayer_lowered;
	s8 =	simm.s32 $_tile_overlayer_lowered  }
0x9d: {  	s22 =	simm.s32 $0x1BFF;
	s21 =	sshll.u32 s8, $0x1;
	s5 =	sadd.s32 s6, s19  }
0x9e: {  	s9 =	simm.s32 $0x0;
	s20 =	sshll.u32 s7, $0x1;
	s7 =	sadd.s32 s21, s5  }
0x9f: {  	[timem:s9], [sflag:s22] =	dma.local [hbm:s7], s20  }
0xa0: {  	_ =	swait.ge [sflag:s22], s20  }
0xa1: {  	s6 =	ssub.s32 $0x0, s20;
	[sflag:s22] =	ssyncset.done $0x0  }
0xa2: {  	[sflag:s22] =	ssyncadd.s32 s6;
	_ =	sdelay $0x1  }
0xa3: {  	s23 =	simm.s32 $0x1B8B  }
0xa4: {  	_ =	swait.ge [sflag:s23], $0x1  }
0xa5: {  	[sflag:s23] =	ssyncset.done $0x0  }
0xa6: {  	s25 =	simm.s32 $0x1B8E;
	s24 =	sld [smem:$0x3FFE];
	[sflag:s23] =	ssyncadd.s32 $0xFFFFFFFF  }
0xa7: {  	s26 =	simm.s32 $execute0_lowered;
	[smem:$0x3FD2] =	sst s25  }
0xa8: {  	s7 =	sshll.u32 s26, $0x1;
	_ =	strace $0x80000046;
	[dreg:$0x1] =	wrdreg $0xFFFFFFFF  }
0xa9: {  	s28 =	simm.s32 $_size_execute0_lowered;
	s5 =	sadd.s32 s5, s7;
	[dreg:$0x0] =	wrdreg $0x0  }
0xaa: {  	s7 =	sshll.u32 s28, $0x1;
	[dreg:$0x2] =	wrdreg s5  }
0xab: {  	[dreg:$0x3] =	wrdreg s7  }
0xac: {  	[dreg:$0x4] =	wrdreg $0xC0  }
0xad: {  	_ =	task [dreg:s9], $0x5FFFF  }
0xae: {  	[dreg:$0x1] =	wrdreg $0xFFFFFFFF  }
0xaf: {  	[dreg:$0x0] =	wrdreg $0x60  }
0xb0: {  	[dreg:$0x2] =	wrdreg s2  }
0xb1: {  	[dreg:$0x3] =	wrdreg s4  }
0xb2: {  	[dreg:$0x4] =	wrdreg s18  }
0xb3: {  	[dreg:$0x5] =	wrdreg s24  }
0xb4: {  	[dreg:$0x6] =	wrdreg $0x49800  }
0xb5: {  	[dreg:$0x7] =	wrdreg $0x9  }
0xb6: {  	_ =	task.clear_ibuf [dreg:s9], $0x8FFFF;
	_ =	strace $0x90000046  }
0xb7: {  	s29 =	simm.s32 $0x9;
	_ =	strace $0x80000048  }
0xb8: {  	_ =	swait.ge [sflag:s29], $0x1  }
0xb9: {  	[sflag:s29] =	ssyncadd.s32 $0xFFFFFFFF  }
0xba: {  	_ =	strace $0x90000048  }
0xbb: {  	_ =	sfence  }
0xbc: {  	s30 =	sld [smem:$0x0];
	_ =	sdelay $0x2  }
0xbd: {  	s31 =	sshll.u32 s1, $0xD;
	s1 =	sshrl.u32 s1, $0x2  }
0xbe: {  	s3 =	sand.u32 $0x4000, s31;
	s1 =	sadd.s32 s1, s30  }
0xbf: {  	s0 =	sor.u32 s3, s0;
	s1 =	sshll.u32 s1, $0x11  }
0xc0: {  	s0 =	sor.u32 s1, s0  }
0xc1: {  	s0 =	sadd.s32 $0x8F2B, s0  }
0xc2: {  	[sflag:s0] =	ssyncadd.remote.s32 $0x1  }
0xc3: {  	_ =	sfence.sel $0xFFFF  }
0xc4: {  	[dreg:$0x0] =	wrdreg $0xFFFFFFFF;
	(pc) =	sbr.abs _section_cstart, $3  }
0xc5: {  	[dreg:$0x1] =	wrdreg $0xFFFFFFFF  }
0xc6: {  	_ =	task.clear_ibuf [dreg:s9], $0x2FFFF;
	_ =	strace $0x9FFFFFFF  }
0xc7: {  	(tm) =	ssettm $0x7FFFFFFF  }
tec
execute0_lowered:
.L_overlay_start_1:
0x0: {  	(tag) =	ssettag $0x1  }
0x1: {  	s1 =	rddreg [dreg:$0x0]  }
0x2: {  	s2 =	rddreg [dreg:$0x1]  }
0x3: {  	s3 =	rddreg [dreg:$0x2]  }
0x4: {  	s6 =	rddreg [dreg:$0x3]  }
0x5: {  	s4 =	rddreg [dreg:$0x4]  }
0x6: {  	s0 =	rddreg [dreg:$0x5];
	s5 =	simm.s32 $0x0  }
0x7: {  	s7 =	srdreg.scid;
	s15 =	stileid.u32;
	s11 =	simm.s32 $0x4180  }
0x8: {  	s12 =	simm.s32 $0x1;
	s13 =	simm.s32 $0x4000;
	s14 =	simm.s32 $0x4100  }
0x9: {  	s17 =	simm.s32 $0x0;
	[smem:$0x7FF] =	sst s5;
	s7 =	sand.u32 $0x1, s7  }
0xa: {  	s9 =	sshll.u32 s15, $0x1;
	s30 =	sshll.u32 s15, $0xB;
	p0 =	sne.s32 s15, $0x0  }
0xb: {  	s15 =	simm.s32 $0x80;
	_ =	strace $0x80000047;
	s8 =	sshll.u32 s7, $0xC  }
0xc: {  	s29 =	ssub.s32 $0x2, s7;
	s7 =	sor.u32 s7, s9;
	s16 =	sshrl.u32 @!p0 s4, $0x3  }
0xd: {  	s8 =	sadd.s32 s8, s6;
	s10 =	sshrl.u32 s29, $0x1;
	s6 =	sadd.s32 s30, s4  }
0xe: {  	s31 =	ssub.s32 $0xF9, s7;
	s7 =	sshll.u32 s7, $0x7;
	s10 =	ssub.s32 s29, s10  }
0xf: {  	v0 =	vimm.f32 $0.0e+00;
	s8 =	sadd.s32 $0xC00, s8;
	s9 =	sshrl.u32 s31, $0x5;
	s10 =	smax.u32 s10, $0x1  }
.LBB2_1:
0x10: {  	[tilespmem:$0x4180] =	vst v0  }
0x11: {  	[tilespmem:$0x4190] =	vst v0  }
0x12: {  	[tilespmem:$0x41A0] =	vst v0  }
0x13: {  	[tilespmem:$0x41B0] =	vst v0  }
0x14: {  	[tilespmem:$0x41C0] =	vst v0  }
0x15: {  	[tilespmem:$0x41D0] =	vst v0  }
0x16: {  	[tilespmem:$0x41E0] =	vst v0  }
0x17: {  	[tilespmem:$0x41F0] =	vst v0  }
0x18: {  	[tilespmem:$0x4200] =	vst v0  }
0x19: {  	[tilespmem:$0x4210] =	vst v0  }
0x1a: {  	[tilespmem:$0x4220] =	vst v0  }
0x1b: {  	[tilespmem:$0x4230] =	vst v0  }
0x1c: {  	[tilespmem:$0x4240] =	vst v0  }
0x1d: {  	[tilespmem:$0x4250] =	vst v0  }
0x1e: {  	[tilespmem:$0x4260] =	vst v0  }
0x1f: {  	[tilespmem:$0x4270] =	vst v0  }
0x20: {  	[tilespmem:$0x4280] =	vst v0  }
0x21: {  	[tilespmem:$0x4290] =	vst v0  }
0x22: {  	[tilespmem:$0x42A0] =	vst v0  }
0x23: {  	[tilespmem:$0x42B0] =	vst v0  }
0x24: {  	[tilespmem:$0x42C0] =	vst v0  }
0x25: {  	[tilespmem:$0x42D0] =	vst v0  }
0x26: {  	[tilespmem:$0x42E0] =	vst v0  }
0x27: {  	[tilespmem:$0x42F0] =	vst v0  }
0x28: {  	[tilespmem:$0x4300] =	vst v0  }
0x29: {  	[tilespmem:$0x4310] =	vst v0  }
0x2a: {  	[tilespmem:$0x4320] =	vst v0  }
0x2b: {  	[tilespmem:$0x4330] =	vst v0  }
0x2c: {  	[tilespmem:$0x4340] =	vst v0  }
0x2d: {  	[tilespmem:$0x4350] =	vst v0  }
0x2e: {  	[tilespmem:$0x4360] =	vst v0  }
0x2f: {  	[tilespmem:$0x4370] =	vst v0  }
0x30: {  	[tilespmem:$0x4380] =	vst v0  }
0x31: {  	[tilespmem:$0x4390] =	vst v0  }
0x32: {  	[tilespmem:$0x43A0] =	vst v0  }
0x33: {  	[tilespmem:$0x43B0] =	vst v0  }
0x34: {  	[tilespmem:$0x43C0] =	vst v0  }
0x35: {  	[tilespmem:$0x43D0] =	vst v0  }
0x36: {  	[tilespmem:$0x43E0] =	vst v0  }
0x37: {  	[tilespmem:$0x43F0] =	vst v0  }
0x38: {  	[tilespmem:$0x4400] =	vst v0  }
0x39: {  	[tilespmem:$0x4410] =	vst v0  }
0x3a: {  	[tilespmem:$0x4420] =	vst v0  }
0x3b: {  	[tilespmem:$0x4430] =	vst v0  }
0x3c: {  	[tilespmem:$0x4440] =	vst v0  }
0x3d: {  	[tilespmem:$0x4450] =	vst v0  }
0x3e: {  	[tilespmem:$0x4460] =	vst v0  }
0x3f: {  	[tilespmem:$0x4470] =	vst v0  }
0x40: {  	[tilespmem:$0x4480] =	vst v0  }
0x41: {  	[tilespmem:$0x4490] =	vst v0  }
0x42: {  	[tilespmem:$0x44A0] =	vst v0  }
0x43: {  	[tilespmem:$0x44B0] =	vst v0  }
0x44: {  	[tilespmem:$0x44C0] =	vst v0  }
0x45: {  	[tilespmem:$0x44D0] =	vst v0  }
0x46: {  	[tilespmem:$0x44E0] =	vst v0  }
0x47: {  	[tilespmem:$0x44F0] =	vst v0  }
0x48: {  	[tilespmem:$0x4500] =	vst v0  }
0x49: {  	[tilespmem:$0x4510] =	vst v0  }
0x4a: {  	[tilespmem:$0x4520] =	vst v0  }
0x4b: {  	[tilespmem:$0x4530] =	vst v0  }
0x4c: {  	[tilespmem:$0x4540] =	vst v0  }
0x4d: {  	[tilespmem:$0x4550] =	vst v0  }
0x4e: {  	[tilespmem:$0x4560] =	vst v0  }
0x4f: {  	[tilespmem:$0x4570] =	vst v0  }
0x50: {  	[tilespmem:$0x4580] =	vst v0  }
0x51: {  	[tilespmem:$0x4590] =	vst v0  }
0x52: {  	[tilespmem:$0x45A0] =	vst v0  }
0x53: {  	[tilespmem:$0x45B0] =	vst v0  }
0x54: {  	[tilespmem:$0x45C0] =	vst v0  }
0x55: {  	[tilespmem:$0x45D0] =	vst v0  }
0x56: {  	[tilespmem:$0x45E0] =	vst v0  }
0x57: {  	[tilespmem:$0x45F0] =	vst v0  }
0x58: {  	[tilespmem:$0x4600] =	vst v0  }
0x59: {  	[tilespmem:$0x4610] =	vst v0  }
0x5a: {  	[tilespmem:$0x4620] =	vst v0  }
0x5b: {  	[tilespmem:$0x4630] =	vst v0  }
0x5c: {  	[tilespmem:$0x4640] =	vst v0  }
0x5d: {  	[tilespmem:$0x4650] =	vst v0  }
0x5e: {  	[tilespmem:$0x4660] =	vst v0  }
0x5f: {  	[tilespmem:$0x4670] =	vst v0  }
0x60: {  	[tilespmem:$0x4680] =	vst v0  }
0x61: {  	[tilespmem:$0x4690] =	vst v0  }
0x62: {  	[tilespmem:$0x46A0] =	vst v0  }
0x63: {  	[tilespmem:$0x46B0] =	vst v0  }
0x64: {  	[tilespmem:$0x46C0] =	vst v0  }
0x65: {  	[tilespmem:$0x46D0] =	vst v0  }
0x66: {  	[tilespmem:$0x46E0] =	vst v0  }
0x67: {  	[tilespmem:$0x46F0] =	vst v0  }
0x68: {  	[tilespmem:$0x4700] =	vst v0  }
0x69: {  	[tilespmem:$0x4710] =	vst v0  }
0x6a: {  	[tilespmem:$0x4720] =	vst v0  }
0x6b: {  	[tilespmem:$0x4730] =	vst v0  }
0x6c: {  	[tilespmem:$0x4740] =	vst v0  }
0x6d: {  	[tilespmem:$0x4750] =	vst v0  }
0x6e: {  	[tilespmem:$0x4760] =	vst v0  }
0x6f: {  	[tilespmem:$0x4770] =	vst v0  }
0x70: {  	[tilespmem:$0x4780] =	vst v0  }
0x71: {  	[tilespmem:$0x4790] =	vst v0  }
0x72: {  	[tilespmem:$0x47A0] =	vst v0  }
0x73: {  	[tilespmem:$0x47B0] =	vst v0  }
0x74: {  	[tilespmem:$0x47C0] =	vst v0  }
0x75: {  	[tilespmem:$0x47D0] =	vst v0  }
0x76: {  	[tilespmem:$0x47E0] =	vst v0  }
0x77: {  	[tilespmem:$0x47F0] =	vst v0  }
0x78: {  	[tilespmem:$0x4800] =	vst v0  }
0x79: {  	[tilespmem:$0x4810] =	vst v0  }
0x7a: {  	[tilespmem:$0x4820] =	vst v0  }
0x7b: {  	[tilespmem:$0x4830] =	vst v0  }
0x7c: {  	[tilespmem:$0x4840] =	vst v0  }
0x7d: {  	[tilespmem:$0x4850] =	vst v0  }
0x7e: {  	[tilespmem:$0x4860] =	vst v0  }
0x7f: {  	[tilespmem:$0x4870] =	vst v0  }
0x80: {  	[tilespmem:$0x4880] =	vst v0  }
0x81: {  	[tilespmem:$0x4890] =	vst v0  }
0x82: {  	[tilespmem:$0x48A0] =	vst v0  }
0x83: {  	[tilespmem:$0x48B0] =	vst v0  }
0x84: {  	[tilespmem:$0x48C0] =	vst v0  }
0x85: {  	[tilespmem:$0x48D0] =	vst v0  }
0x86: {  	[tilespmem:$0x48E0] =	vst v0  }
0x87: {  	[tilespmem:$0x48F0] =	vst v0  }
0x88: {  	[tilespmem:$0x4900] =	vst v0  }
0x89: {  	[tilespmem:$0x4910] =	vst v0  }
0x8a: {  	[tilespmem:$0x4920] =	vst v0  }
0x8b: {  	[tilespmem:$0x4930] =	vst v0  }
0x8c: {  	[tilespmem:$0x4940] =	vst v0  }
0x8d: {  	[tilespmem:$0x4950] =	vst v0  }
0x8e: {  	[tilespmem:$0x4960] =	vst v0  }
0x8f: {  	[tilespmem:$0x4970] =	vst v0  }
0x90: {  	[spmem:s6] =	stream.linear.scatter [tilespmem:s11], [sflag:$0x1], $0x800, $0x38;
	[tilespmem:$0x5180] =	vst v63  }
0x91: {  	_ =	swait.ge [sflag:s12], $0x800  }
0x92: {  	[sflag:s12] =	ssyncset.done $0x0  }
0x93: {  	[sflag:s12] =	ssyncadd.s32 $0xFFFFF800  }
0x94: {  	s18 =	simm.s32 $0x0;
	[bflag:$0x0] =	sbarrier.arrive $0xFFFF  }
.LBB2_2:
0x95: {  	s19 =	sshll.u32 s18, $0xC  }
0x96: {  	s19 =	sor.u32 s7, s19  }
0x97: {  	s20 =	sshll.u32 s19, $0x4  }
0x98: {  	s20 =	sadd.s32 s1, s20  }
0x99: {  	[tilespmem:s5], [sflag:$0x1] =	stream.linear.gather [hbm4b:s20+s5], $0x4000, $0x38;
	[tilespmem:$0x5180] =	vst v63  }
0x9a: {  	_ =	swait.ge [sflag:s12], $0x4000  }
0x9b: {  	s19 =	sshrl.u32 s19, $0x3;
	[sflag:s12] =	ssyncset.done $0x0  }
0x9c: {  	s30 =	sadd.s32 s2, s19;
	[sflag:s12] =	ssyncadd.s32 $0xFFFFC000  }
0x9d: {  	[tilespmem:s13], [sflag:$0x1] =	stream.linear.gather [hbm4b:s30+s5], $0x80, $0x38;
	[tilespmem:$0x5180] =	vst v63  }
0x9e: {  	_ =	swait.ge [sflag:s12], $0x80  }
0x9f: {  	[sflag:s12] =	ssyncset.done $0x0  }
0xa0: {  	s19 =	sadd.s32 s3, s19;
	[sflag:s12] =	ssyncadd.s32 $0xFFFFFF80  }
0xa1: {  	[tilespmem:s14], [sflag:$0x1] =	stream.linear.gather [hbm4b:s19+s5], $0x80, $0x38;
	[tilespmem:$0x5180] =	vst v63  }
0xa2: {  	_ =	swait.ge [sflag:s12], $0x80  }
0xa3: {  	[sflag:s12] =	ssyncset.done $0x0  }
0xa4: {  	s31 =	simm.s32 $0x4004;
	[sflag:s12] =	ssyncadd.s32 $0xFFFFFF80  }
0xa5: {  	s19 =	simm.s32 $0x200;
	v1 =	vld.msk [tilespmem:s31+$0x3 ss:$0x0], $0xffff  }
0xa6: {  	v2 =	vld [tilespmem:s19+$0x1F0]  }
0xa7: {  	v3 =	vld.msk [tilespmem:s31+$0xFFFFFFFC ss:$0x0], $0xffff  }
0xa8: {  	v4 =	vld [tilespmem:s19+$0xFFFFFE00]  }
0xa9: {  	v5 =	vld [tilespmem:s19+$0xFFFFFE10]  }
0xaa: {  	v6 =	vld [tilespmem:s19+$0xFFFFFE20]  }
0xab: {  	v7 =	vld [tilespmem:s19+$0xFFFFFE30]  }
0xac: {  	v8 =	vld [tilespmem:s19+$0xFFFFFE40]  }
0xad: {  	v9 =	vld [tilespmem:s19+$0xFFFFFE50]  }
0xae: {  	v10 =	vld [tilespmem:s19+$0xFFFFFE60]  }
0xaf: {  	v11 =	vld.msk [tilespmem:s31+$0xFFFFFFFD ss:$0x0], $0xffff  }
0xb0: {  	v12 =	vld [tilespmem:s19+$0xFFFFFE80]  }
0xb1: {  	v13 =	vld [tilespmem:s19+$0xFFFFFE90]  }
0xb2: {  	v15 =	vld [tilespmem:s19+$0xFFFFFEB0];
	v4 =	vmul.f32 v3, v4  }
0xb3: {  	v16 =	vld [tilespmem:s19+$0xFFFFFEC0];
	v2 =	vmul.f32 v2, v1  }
0xb4: {  	v14 =	vld [tilespmem:s19+$0xFFFFFEA0];
	v5 =	vmul.f32 v5, v3;
	[tilespmem:s19+$0xFFFFFE00] =	vst v4  }
0xb5: {  	v55 =	vld [tilespmem:s19+$0xFFFFFED0];
	v6 =	vmul.f32 v6, v3;
	[tilespmem:s19+$0x1F0] =	vst v2  }
0xb6: {  	v56 =	vld [tilespmem:s19+$0xFFFFFF40];
	v7 =	vmul.f32 v7, v3;
	[tilespmem:s19+$0xFFFFFE10] =	vst v5  }
0xb7: {  	v59 =	vld [tilespmem:s19+$0xFFFFFF70];
	v57 =	vmul.f32 v15, v11;
	[tilespmem:s19+$0xFFFFFE20] =	vst v6  }
0xb8: {  	v60 =	vld [tilespmem:s19+$0xFFFFFF80];
	v58 =	vmul.f32 v16, v11;
	[tilespmem:s19+$0xFFFFFE30] =	vst v7  }
0xb9: {  	v4 =	vld [tilespmem:s19+$0xFFFFFE70];
	v2 =	vmul.f32 v11, v12;
	[tilespmem:s19+$0xFFFFFEB0] =	vst v57  }
0xba: {  	v5 =	vld [tilespmem:s19+$0xFFFFFEE0];
	v6 =	vmul.f32 v8, v3;
	[tilespmem:s19+$0xFFFFFEC0] =	vst v58  }
0xbb: {  	v8 =	vld [tilespmem:s19+$0xFFFFFEF0];
	v7 =	vmul.f32 v9, v3;
	[tilespmem:s19+$0xFFFFFE80] =	vst v2  }
0xbc: {  	v9 =	vld [tilespmem:s19+$0xFFFFFF00];
	[tilespmem:s19+$0xFFFFFE40] =	vst v6;
	v6 =	vmul.f32 v10, v3  }
0xbd: {  	v12 =	vmul.f32 v55, v11;
	v2 =	vld.msk [tilespmem:s31+$0xFFFFFFFE ss:$0x0], $0xffff;
	[tilespmem:s19+$0xFFFFFE50] =	vst v7  }
0xbe: {  	v61 =	vld [tilespmem:s19+$0xFFFFFFD0];
	[tilespmem:s19+$0xFFFFFE60] =	vst v6;
	v6 =	vmul.f32 v13, v11  }
0xbf: {  	v10 =	vld [tilespmem:s19+$0xFFFFFF10];
	[tilespmem:s19+$0xFFFFFED0] =	vst v12;
	v3 =	vmul.f32 v4, v3  }
0xc0: {  	v62 =	vld.msk [tilespmem:s31+$0x0 ss:$0x0], $0xffff;
	v5 =	vmul.f32 v5, v11;
	[tilespmem:s19+$0xFFFFFE90] =	vst v6  }
0xc1: {  	v7 =	vld [tilespmem:s19+$0xFFFFFF30];
	v8 =	vmul.f32 v8, v11;
	[tilespmem:s19+$0xFFFFFE70] =	vst v3  }
0xc2: {  	v4 =	vld [tilespmem:s19+$0xFFFFFF20];
	v6 =	vmul.f32 v2, v9;
	[tilespmem:s19+$0xFFFFFEE0] =	vst v5  }
0xc3: {  	v3 =	vmul.f32 v14, v11;
	v9 =	vld [tilespmem:s19+$0xFFFFFF50];
	[tilespmem:s19+$0xFFFFFEF0] =	vst v8  }
0xc4: {  	v5 =	vmul.f32 v10, v2;
	[tilespmem:s19+$0xFFFFFF00] =	vst v6;
	v6 =	vld.msk [tilespmem:s31+$0xFFFFFFFF ss:$0x0], $0xffff  }
0xc5: {  	v13 =	vmul.f32 v56, v2;
	[tilespmem:s19+$0xFFFFFEA0] =	vst v3;
	v3 =	vld [tilespmem:s19+$0xFFFFFF60]  }
0xc6: {  	v63 =	vld.msk [tilespmem:s31+$0x1 ss:$0x0], $0xffff;
	[tilespmem:s19+$0xFFFFFF10] =	vst v5;
	v5 =	vmul.f32 v7, v2  }
0xc7: {  	v11 =	vld [tilespmem:s19+$0xFFFFFF90];
	[tilespmem:s19+$0xFFFFFF40] =	vst v13;
	v4 =	vmul.f32 v4, v2  }
0xc8: {  	v10 =	vld [tilespmem:s19+$0xFFFFFFA0];
	[tilespmem:s19+$0xFFFFFF30] =	vst v5;
	v9 =	vmul.f32 v9, v2  }
0xc9: {  	v8 =	vld [tilespmem:s19+$0xFFFFFFB0];
	[tilespmem:s19+$0xFFFFFF20] =	vst v4;
	v4 =	vmul.f32 v6, v60  }
0xca: {  	v5 =	vld [tilespmem:s19+$0xFFFFFFE0];
	v3 =	vmul.f32 v3, v2;
	[tilespmem:s19+$0xFFFFFF50] =	vst v9  }
0xcb: {  	v7 =	vld [tilespmem:s19+$0xFFFFFFC0];
	v2 =	vmul.f32 v59, v2;
	[tilespmem:s19+$0xFFFFFF80] =	vst v4  }
0xcc: {  	v9 =	vld [tilespmem:s19+$0x0];
	v12 =	vmul.f32 v61, v6;
	[tilespmem:s19+$0xFFFFFF60] =	vst v3  }
0xcd: {  	v4 =	vld [tilespmem:s19+$0xFFFFFFF0];
	v3 =	vmul.f32 v11, v6;
	[tilespmem:s19+$0xFFFFFF70] =	vst v2  }
0xce: {  	v11 =	vld [tilespmem:s19+$0x10];
	v2 =	vmul.f32 v10, v6;
	[tilespmem:s19+$0xFFFFFFD0] =	vst v12  }
0xcf: {  	v10 =	vld [tilespmem:s19+$0x20];
	v5 =	vmul.f32 v5, v6;
	[tilespmem:s19+$0xFFFFFF90] =	vst v3  }
0xd0: {  	v3 =	vmul.f32 v8, v6;
	v8 =	vld [tilespmem:s19+$0x30];
	[tilespmem:s19+$0xFFFFFFA0] =	vst v2  }
0xd1: {  	v2 =	vmul.f32 v7, v6;
	v7 =	vld [tilespmem:s19+$0x40];
	[tilespmem:s19+$0xFFFFFFE0] =	vst v5  }
0xd2: {  	[tilespmem:s19+$0xFFFFFFB0] =	vst v3;
	v3 =	vmul.f32 v62, v9;
	v9 =	vld [tilespmem:s19+$0x50]  }
0xd3: {  	[tilespmem:s19+$0xFFFFFFC0] =	vst v2;
	v2 =	vld [tilespmem:s19+$0x60];
	v5 =	vmul.f32 v11, v62  }
0xd4: {  	v11 =	vld.msk [tilespmem:s31+$0x2 ss:$0x0], $0xffff;
	[tilespmem:s19+$0x0] =	vst v3;
	v3 =	vmul.f32 v4, v6  }
0xd5: {  	v4 =	vld [tilespmem:s19+$0x70];
	[tilespmem:s19+$0x10] =	vst v5;
	v5 =	vmul.f32 v8, v62  }
0xd6: {  	v6 =	vld [tilespmem:s19+$0x80];
	[tilespmem:s19+$0xFFFFFFF0] =	vst v3;
	v3 =	vmul.f32 v10, v62  }
0xd7: {  	v10 =	vld [tilespmem:s19+$0x90];
	[tilespmem:s19+$0x30] =	vst v5;
	v5 =	vmul.f32 v9, v62  }
0xd8: {  	v8 =	vld [tilespmem:s19+$0xA0];
	v2 =	vmul.f32 v2, v62;
	[tilespmem:s19+$0x20] =	vst v3  }
0xd9: {  	v3 =	vmul.f32 v7, v62;
	v7 =	vld [tilespmem:s19+$0xB0];
	[tilespmem:s19+$0x50] =	vst v5  }
0xda: {  	v9 =	vld [tilespmem:s19+$0xC0];
	v4 =	vmul.f32 v4, v62;
	[tilespmem:s19+$0x60] =	vst v2  }
0xdb: {  	[tilespmem:s19+$0x40] =	vst v3;
	v3 =	vmul.f32 v63, v6;
	v6 =	vld [tilespmem:s19+$0xD0]  }
0xdc: {  	v5 =	vld [tilespmem:s19+$0xE0];
	v2 =	vmul.f32 v10, v63;
	[tilespmem:s19+$0x70] =	vst v4  }
0xdd: {  	v4 =	vmul.f32 v8, v63;
	v8 =	vld [tilespmem:s19+$0x100];
	[tilespmem:s19+$0x80] =	vst v3  }
0xde: {  	v3 =	vld [tilespmem:s19+$0xF0];
	[tilespmem:s19+$0x90] =	vst v2;
	v2 =	vmul.f32 v7, v63  }
0xdf: {  	v7 =	vld [tilespmem:s19+$0x110];
	[tilespmem:s19+$0xA0] =	vst v4;
	v4 =	vmul.f32 v9, v63  }
0xe0: {  	v9 =	vld [tilespmem:s19+$0x120];
	[tilespmem:s19+$0xB0] =	vst v2;
	v2 =	vmul.f32 v6, v63  }
0xe1: {  	v6 =	vld [tilespmem:s19+$0x130];
	[tilespmem:s19+$0xC0] =	vst v4;
	v4 =	vmul.f32 v5, v63  }
0xe2: {  	v5 =	vld [tilespmem:s19+$0x140];
	[tilespmem:s19+$0xD0] =	vst v2;
	v2 =	vmul.f32 v11, v8  }
0xe3: {  	v8 =	vld [tilespmem:s19+$0x150];
	v3 =	vmul.f32 v3, v63;
	[tilespmem:s19+$0xE0] =	vst v4  }
0xe4: {  	v10 =	vld [tilespmem:s19+$0x160];
	v4 =	vmul.f32 v7, v11;
	[tilespmem:s19+$0x100] =	vst v2  }
0xe5: {  	v7 =	vld [tilespmem:s19+$0x170];
	[tilespmem:s19+$0xF0] =	vst v3;
	v2 =	vmul.f32 v9, v11  }
0xe6: {  	[tilespmem:s19+$0x110] =	vst v4;
	v3 =	vmul.f32 v6, v11;
	v6 =	vld [tilespmem:s19+$0x180]  }
0xe7: {  	v9 =	vld [tilespmem:s19+$0x190];
	[tilespmem:s19+$0x120] =	vst v2;
	v2 =	vmul.f32 v5, v11  }
0xe8: {  	v4 =	vld [tilespmem:s19+$0x1A0];
	[tilespmem:s19+$0x130] =	vst v3;
	v5 =	vmul.f32 v8, v11  }
0xe9: {  	v8 =	vmul.f32 v10, v11;
	v3 =	vld [tilespmem:s19+$0x1B0];
	[tilespmem:s19+$0x140] =	vst v2  }
0xea: {  	v7 =	vmul.f32 v7, v11;
	v2 =	vld [tilespmem:s19+$0x1C0];
	[tilespmem:s19+$0x150] =	vst v5  }
0xeb: {  	[tilespmem:s19+$0x160] =	vst v8;
	v5 =	vld [tilespmem:s19+$0x1D0];
	v8 =	vmul.f32 v1, v6  }
0xec: {  	s21 =	simm.s32 $0x400C;
	s22 =	simm.s32 $0x200;
	s20 =	simm.s32 $0x0;
	[tilespmem:s19+$0x170] =	vst v7;
	v7 =	vmul.f32 v9, v1;
	v6 =	vld [tilespmem:s19+$0x1E0]  }
.LBB2_3:
0xed: {  	v9 =	vld.msk [tilespmem:s21+$0x3 ss:$0x0], $0xffff;
	s20 =	sadd.s32 $0x8, s20;
	[tilespmem:s19+$0x180] =	vst v8;
	v4 =	vmul.f32 v4, v1;
	s22 =	sadd.s32 $0x400, s22  }
0xee: {  	v8 =	vld [tilespmem:s22+$0x1F0];
	p1 =	slt.u32 s20, $0x78;
	[tilespmem:s19+$0x190] =	vst v7;
	v3 =	vmul.f32 v3, v1  }
0xef: {  	v7 =	vld.msk [tilespmem:s21+$0xFFFFFFFD ss:$0x0], $0xffff;
	[tilespmem:s19+$0x1A0] =	vst v4;
	v2 =	vmul.f32 v2, v1  }
0xf0: {  	v10 =	vld.msk [tilespmem:s21+$0xFFFFFFFE ss:$0x0], $0xffff;
	[tilespmem:s19+$0x1B0] =	vst v3;
	v3 =	vmul.f32 v5, v1  }
0xf1: {  	v5 =	vld.msk [tilespmem:s21+$0xFFFFFFFF ss:$0x0], $0xffff;
	[tilespmem:s19+$0x1C0] =	vst v2;
	v2 =	vmul.f32 v6, v1  }
0xf2: {  	v4 =	vld.msk [tilespmem:s21+$0x0 ss:$0x0], $0xffff;
	[tilespmem:s19+$0x1D0] =	vst v3  }
0xf3: {  	v1 =	vmov v9;
	v3 =	vld.msk [tilespmem:s21+$0x1 ss:$0x0], $0xffff;
	v6 =	vmul.f32 v8, v9;
	[tilespmem:s19+$0x1E0] =	vst v2;
	s19 =	smov.u32 s22  }
0xf4: {  	v2 =	vld.msk [tilespmem:s21+$0x2 ss:$0x0], $0xffff  }
0xf5: {  	v8 =	vld.msk [tilespmem:s21+$0xFFFFFFFC ss:$0x0], $0xffff;
	[tilespmem:s22+$0x1F0] =	vst v6  }
0xf6: {  	v6 =	vld [tilespmem:s22+$0xFFFFFE00]  }
0xf7: {  	v9 =	vld [tilespmem:s22+$0xFFFFFE10]  }
0xf8: {  	v11 =	vld [tilespmem:s22+$0xFFFFFE20]  }
0xf9: {  	v12 =	vld [tilespmem:s22+$0xFFFFFE30]  }
0xfa: {  	v13 =	vld [tilespmem:s22+$0xFFFFFE40]  }
0xfb: {  	v6 =	vmul.f32 v8, v6;
	v14 =	vld [tilespmem:s22+$0xFFFFFE50]  }
0xfc: {  	v9 =	vmul.f32 v9, v8;
	v15 =	vld [tilespmem:s22+$0xFFFFFE60]  }
0xfd: {  	[tilespmem:s22+$0xFFFFFE00] =	vst v6;
	v6 =	vmul.f32 v11, v8;
	v11 =	vld [tilespmem:s22+$0xFFFFFE70]  }
0xfe: {  	[tilespmem:s22+$0xFFFFFE10] =	vst v9;
	v9 =	vmul.f32 v12, v8;
	v12 =	vld [tilespmem:s22+$0xFFFFFE80]  }
0xff: {  	[tilespmem:s22+$0xFFFFFE20] =	vst v6;
	v6 =	vmul.f32 v13, v8;
	v13 =	vld [tilespmem:s22+$0xFFFFFE90]  }
0x100: {  	[tilespmem:s22+$0xFFFFFE30] =	vst v9;
	v9 =	vmul.f32 v14, v8;
	v14 =	vld [tilespmem:s22+$0xFFFFFEA0]  }
0x101: {  	[tilespmem:s22+$0xFFFFFE40] =	vst v6;
	v6 =	vmul.f32 v15, v8;
	v15 =	vld [tilespmem:s22+$0xFFFFFEB0]  }
0x102: {  	[tilespmem:s22+$0xFFFFFE50] =	vst v9;
	v8 =	vmul.f32 v11, v8;
	v9 =	vld [tilespmem:s22+$0xFFFFFEC0]  }
0x103: {  	[tilespmem:s22+$0xFFFFFE60] =	vst v6;
	v6 =	vmul.f32 v7, v12;
	v11 =	vld [tilespmem:s22+$0xFFFFFED0]  }
0x104: {  	[tilespmem:s22+$0xFFFFFE70] =	vst v8;
	v8 =	vmul.f32 v13, v7;
	v12 =	vld [tilespmem:s22+$0xFFFFFEE0]  }
0x105: {  	[tilespmem:s22+$0xFFFFFE80] =	vst v6;
	v6 =	vmul.f32 v14, v7;
	v13 =	vld [tilespmem:s22+$0xFFFFFEF0]  }
0x106: {  	[tilespmem:s22+$0xFFFFFE90] =	vst v8;
	v8 =	vmul.f32 v15, v7;
	v14 =	vld [tilespmem:s22+$0xFFFFFF00]  }
0x107: {  	[tilespmem:s22+$0xFFFFFEA0] =	vst v6;
	v6 =	vmul.f32 v9, v7;
	v9 =	vld [tilespmem:s22+$0xFFFFFF10]  }
0x108: {  	[tilespmem:s22+$0xFFFFFEB0] =	vst v8;
	v8 =	vmul.f32 v11, v7;
	v11 =	vld [tilespmem:s22+$0xFFFFFF20]  }
0x109: {  	[tilespmem:s22+$0xFFFFFEC0] =	vst v6;
	v6 =	vmul.f32 v12, v7;
	v12 =	vld [tilespmem:s22+$0xFFFFFF30]  }
0x10a: {  	[tilespmem:s22+$0xFFFFFED0] =	vst v8;
	v7 =	vmul.f32 v13, v7;
	v8 =	vld [tilespmem:s22+$0xFFFFFF40]  }
0x10b: {  	[tilespmem:s22+$0xFFFFFEE0] =	vst v6;
	v6 =	vmul.f32 v10, v14;
	v13 =	vld [tilespmem:s22+$0xFFFFFF50]  }
0x10c: {  	[tilespmem:s22+$0xFFFFFEF0] =	vst v7;
	v7 =	vmul.f32 v9, v10;
	v9 =	vld [tilespmem:s22+$0xFFFFFF60]  }
0x10d: {  	[tilespmem:s22+$0xFFFFFF00] =	vst v6;
	v6 =	vmul.f32 v11, v10;
	v11 =	vld [tilespmem:s22+$0xFFFFFF70]  }
0x10e: {  	[tilespmem:s22+$0xFFFFFF10] =	vst v7;
	v7 =	vmul.f32 v12, v10;
	v12 =	vld [tilespmem:s22+$0xFFFFFF80]  }
0x10f: {  	[tilespmem:s22+$0xFFFFFF20] =	vst v6;
	v6 =	vmul.f32 v8, v10;
	v8 =	vld [tilespmem:s22+$0xFFFFFF90]  }
0x110: {  	[tilespmem:s22+$0xFFFFFF30] =	vst v7;
	v7 =	vmul.f32 v13, v10;
	v13 =	vld [tilespmem:s22+$0xFFFFFFA0]  }
0x111: {  	[tilespmem:s22+$0xFFFFFF40] =	vst v6;
	v6 =	vmul.f32 v9, v10;
	v9 =	vld [tilespmem:s22+$0xFFFFFFB0]  }
0x112: {  	[tilespmem:s22+$0xFFFFFF50] =	vst v7;
	v7 =	vmul.f32 v11, v10;
	v10 =	vld [tilespmem:s22+$0xFFFFFFC0]  }
0x113: {  	[tilespmem:s22+$0xFFFFFF60] =	vst v6;
	v6 =	vmul.f32 v5, v12;
	v11 =	vld [tilespmem:s22+$0xFFFFFFD0]  }
0x114: {  	[tilespmem:s22+$0xFFFFFF70] =	vst v7;
	v7 =	vmul.f32 v8, v5;
	v8 =	vld [tilespmem:s22+$0xFFFFFFE0]  }
0x115: {  	[tilespmem:s22+$0xFFFFFF80] =	vst v6;
	v6 =	vmul.f32 v13, v5;
	v12 =	vld [tilespmem:s22+$0xFFFFFFF0]  }
0x116: {  	[tilespmem:s22+$0xFFFFFF90] =	vst v7;
	v7 =	vmul.f32 v9, v5;
	v9 =	vld [tilespmem:s22+$0x0]  }
0x117: {  	[tilespmem:s22+$0xFFFFFFA0] =	vst v6;
	v6 =	vmul.f32 v10, v5;
	v10 =	vld [tilespmem:s22+$0x10]  }
0x118: {  	[tilespmem:s22+$0xFFFFFFB0] =	vst v7;
	v7 =	vmul.f32 v11, v5;
	v11 =	vld [tilespmem:s22+$0x20]  }
0x119: {  	[tilespmem:s22+$0xFFFFFFC0] =	vst v6;
	v6 =	vmul.f32 v8, v5;
	v8 =	vld [tilespmem:s22+$0x30]  }
0x11a: {  	[tilespmem:s22+$0xFFFFFFD0] =	vst v7;
	v5 =	vmul.f32 v12, v5;
	v7 =	vld [tilespmem:s22+$0x40]  }
0x11b: {  	[tilespmem:s22+$0xFFFFFFE0] =	vst v6;
	v6 =	vmul.f32 v4, v9;
	v9 =	vld [tilespmem:s22+$0x50]  }
0x11c: {  	[tilespmem:s22+$0xFFFFFFF0] =	vst v5;
	v5 =	vmul.f32 v10, v4;
	v10 =	vld [tilespmem:s22+$0x60]  }
0x11d: {  	[tilespmem:s22+$0x0] =	vst v6;
	v6 =	vmul.f32 v11, v4;
	v11 =	vld [tilespmem:s22+$0x70]  }
0x11e: {  	[tilespmem:s22+$0x10] =	vst v5;
	v5 =	vmul.f32 v8, v4;
	v8 =	vld [tilespmem:s22+$0x80]  }
0x11f: {  	[tilespmem:s22+$0x20] =	vst v6;
	v6 =	vmul.f32 v7, v4;
	v7 =	vld [tilespmem:s22+$0x90]  }
0x120: {  	[tilespmem:s22+$0x30] =	vst v5;
	v5 =	vmul.f32 v9, v4;
	v9 =	vld [tilespmem:s22+$0xA0]  }
0x121: {  	[tilespmem:s22+$0x40] =	vst v6;
	v6 =	vmul.f32 v10, v4;
	v10 =	vld [tilespmem:s22+$0xB0]  }
0x122: {  	[tilespmem:s22+$0x50] =	vst v5;
	v4 =	vmul.f32 v11, v4;
	v5 =	vld [tilespmem:s22+$0xC0]  }
0x123: {  	[tilespmem:s22+$0x60] =	vst v6;
	v6 =	vmul.f32 v3, v8;
	v8 =	vld [tilespmem:s22+$0xD0]  }
0x124: {  	[tilespmem:s22+$0x70] =	vst v4;
	v4 =	vmul.f32 v7, v3;
	v7 =	vld [tilespmem:s22+$0xE0]  }
0x125: {  	[tilespmem:s22+$0x80] =	vst v6;
	v6 =	vmul.f32 v9, v3;
	v9 =	vld [tilespmem:s22+$0xF0]  }
0x126: {  	[tilespmem:s22+$0x90] =	vst v4;
	v4 =	vmul.f32 v10, v3;
	v10 =	vld [tilespmem:s22+$0x100]  }
0x127: {  	[tilespmem:s22+$0xA0] =	vst v6;
	v5 =	vmul.f32 v5, v3;
	v6 =	vld [tilespmem:s22+$0x110]  }
0x128: {  	[tilespmem:s22+$0xB0] =	vst v4;
	v4 =	vmul.f32 v8, v3;
	v8 =	vld [tilespmem:s22+$0x120]  }
0x129: {  	[tilespmem:s22+$0xC0] =	vst v5;
	v5 =	vmul.f32 v7, v3;
	v7 =	vld [tilespmem:s22+$0x130]  }
0x12a: {  	[tilespmem:s22+$0xD0] =	vst v4;
	v3 =	vmul.f32 v9, v3;
	v4 =	vld [tilespmem:s22+$0x140]  }
0x12b: {  	[tilespmem:s22+$0xE0] =	vst v5;
	v5 =	vmul.f32 v2, v10;
	v9 =	vld [tilespmem:s22+$0x150]  }
0x12c: {  	[tilespmem:s22+$0xF0] =	vst v3;
	v3 =	vmul.f32 v6, v2;
	v6 =	vld [tilespmem:s22+$0x160]  }
0x12d: {  	[tilespmem:s22+$0x100] =	vst v5;
	v5 =	vmul.f32 v8, v2;
	v8 =	vld [tilespmem:s22+$0x170]  }
0x12e: {  	[tilespmem:s22+$0x110] =	vst v3;
	v3 =	vmul.f32 v7, v2;
	v7 =	vld [tilespmem:s22+$0x180]  }
0x12f: {  	[tilespmem:s22+$0x120] =	vst v5;
	v5 =	vmul.f32 v4, v2;
	v10 =	vld [tilespmem:s22+$0x190]  }
.Ltmp0:
0x130: {  	[tilespmem:s22+$0x130] =	vst v3;
	v9 =	vmul.f32 v9, v2;
	v4 =	vld [tilespmem:s22+$0x1A0];
	(pc) =	sbr.rel @p1 .LBB2_3-.Ltmp0, $4  }
0x131: {  	[tilespmem:s22+$0x140] =	vst v5;
	v5 =	vmul.f32 v6, v2;
	v3 =	vld [tilespmem:s22+$0x1B0]  }
0x132: {  	[tilespmem:s22+$0x150] =	vst v9;
	v6 =	vmul.f32 v8, v2;
	v2 =	vld [tilespmem:s22+$0x1C0]  }
0x133: {  	[tilespmem:s22+$0x160] =	vst v5;
	v8 =	vmul.f32 v1, v7;
	v5 =	vld [tilespmem:s22+$0x1D0]  }
0x134: {  	s21 =	sadd.s32 $0x8, s21;
	[tilespmem:s22+$0x170] =	vst v6;
	v7 =	vmul.f32 v10, v1;
	v6 =	vld [tilespmem:s22+$0x1E0]  }
0x135: {  	[tilespmem:s19+$0x180] =	vst v8;
	v4 =	vmul.f32 v4, v1  }
0x136: {  	[tilespmem:s19+$0x190] =	vst v7;
	v3 =	vmul.f32 v3, v1  }
0x137: {  	[tilespmem:s19+$0x1A0] =	vst v4;
	v2 =	vmul.f32 v2, v1  }
0x138: {  	[tilespmem:s19+$0x1B0] =	vst v3;
	v3 =	vmul.f32 v5, v1  }
0x139: {  	[tilespmem:s19+$0x1C0] =	vst v2;
	v1 =	vmul.f32 v6, v1  }
0x13a: {  	p1 =	sne.s32 s18, s9;
	[tilespmem:s19+$0x1D0] =	vst v3  }
.Ltmp1:
0x13b: {  	[tilespmem:s19+$0x1E0] =	vst v1;
	(pc) =	sbr.rel @p1 .LBB2_2-.Ltmp1, $4  }
0x13c: {  	[spmem:s4] =	stream.indirect.scatter.add.f32 [tilespmem:s5], [sflag:$0x1], $0x80, s14, s15, $0xb8;
	[tilespmem:$0x5180] =	vst v63  }
0x13d: {  	_ =	swait.ge [sflag:s12], $0x4000  }
0x13e: {  	s31 =	sadd.s32 $0x1, s18;
	[sflag:s12] =	ssyncset.done $0x0  }
0x13f: {  	s18 =	smov.u32 s31;
	[sflag:s12] =	ssyncadd.s32 $0xFFFFC000  }
0x140: {  	[bflag:$0x0] =	sbarrier.arrive $0xFFFF;
	s18 =	simm.s32 @!p0 $0x1C01;
	s17 =	sadd.s32 $0x1, s17  }
0x141: {  	[hbm:s8], [sflag:s18] =	dma.local @!p0 [spmem:s16], $0x1000  }
0x142: {  	p1 =	sne.s32 s17, s10  }
.Ltmp2:
0x143: {  	_ = 	snop;
	(pc) =	sbr.rel @p1 .LBB2_1-.Ltmp2, $4  }
0x144: {  	s18 =	simm.s32 @!p0 $0x1  }
0x145: {  	_ =	swait.ge @!p0 [sflag:s18], $0x1000  }
0x146: {  	[sflag:s18] =	ssyncset.done @!p0 $0x0  }
0x147: {  	[sflag:s18] =	ssyncadd.s32 @!p0 $0xFFFFF000  }
0x148: {  	_ =	sfence.sel $0x180000  }
0x149: {  	[bflag:$0x0] =	sbarrier.arrive $0xFFFF  }
0x14a: {  	_ =	strace $0x90000047  }
0x14b: {  	s0 =	sadd.s32 @!p0 $0x100000, s0;
	[bflag:$0x2] =	sbarrier.arrive $0xFFFF  }
0x14c: {  	[sflag:s0] =	ssyncadd.tile.s32 @!p0 $0x1;
	_ =	shalt  }
.Lfunc_end2:
_tile_overlayer_lowered:
.L_overlay_start_2:
0x14d: {  	(tag) =	ssettag $0x2  }
0x14e: {  	s0 =	rddreg [dreg:$0x0];
	s2 =	stileid.u32  }
0x14f: {  	s1 =	rddreg [dreg:$0x1];
	p0 =	sne.s32 s2, $0x0  }
0x150: {  	s3 =	rddreg [dreg:$0x2];
	[bflag:$0x3] =	sbarrier.arrive $0xFFFF;
	s2 =	simm.s32 @!p0 $0x1C01  }
0x151: {  	[timem:s3], [sflag:s2] =	dma.local @!p0 [hbm:s0], s1  }
0x152: {  	s0 =	simm.s32 @!p0 $0x1  }
0x153: {  	_ =	swait.ge @!p0 [sflag:s0], s1  }
0x154: {  	s1 =	ssub.s32 @!p0 $0x0, s1;
	[sflag:s0] =	ssyncset.done @!p0 $0x0  }
0x155: {  	[sflag:s0] =	ssyncadd.s32 @!p0 s1  }
0x156: {  	[bflag:$0x3] =	sbarrier.arrive $0xFFFF  }
0x157: {  	_ =	shalt  }

</sc_bundles>
